<compile_context>
chip_gen: v7x
topology: tpu7x:2x2x1
jax: 0.10.2.dev20260603
libtpu: 0.0.44.dev20260713+nightly
codegen_flags: <defaults>
</compile_context>

<pallas_src>
import functools

import jax
import jax.numpy as jnp
from jax import lax
from jax.experimental import pallas as pl
from jax.experimental.pallas import tpu as pltpu
from jax.experimental.pallas import tpu_sc as plsc

NUM_ROWS = 16384
NUM_COLS = 200
EMB = 3
N_IDX = NUM_ROWS * NUM_COLS
N_OUT = N_IDX * EMB

NC = 2
NS = 16
NW = NC * NS
LANES = 16

PER_W = N_IDX // NW
CHUNK = 12_800
NCH = PER_W // CHUNK
NITER = CHUNK // LANES


def _sc_body(arg_hbm, w_hbm, out_hbm,
             idx0, idx1, ob0, ob1, wtab,
             sem_i0, sem_i1, sem_o0, sem_o1):
    wid = lax.axis_index("s") * NC + lax.axis_index("c")
    ibase = wid * PER_W

    pltpu.sync_copy(w_hbm, wtab)

    idx_bufs = (idx0, idx1)
    out_bufs = (ob0, ob1)
    sems_i = (sem_i0, sem_i1)
    sems_o = (sem_o0, sem_o1)

    def start_idx(c):
        return pltpu.async_copy(
            arg_hbm.at[pl.ds(ibase + c * CHUNK, CHUNK)],
            idx_bufs[c % 2], sems_i[c % 2])

    def compute(idx_ref, out_ref):
        @plsc.parallel_loop(0, NITER, 1, unroll=8)
        def _(i):
            av = idx_ref[pl.ds(i * LANES, LANES)]
            b3 = av * 3
            for k in range(EMB):
                g = plsc.load_gather(wtab, [b3 + k])
                out_ref[pl.ds(k * CHUNK + i * LANES, LANES)] = g

    h_out = [None, None]
    h_idx = start_idx(0)
    for c in range(NCH):
        h_next = start_idx(c + 1) if c + 1 < NCH else None
        h_idx.wait()
        if h_out[c % 2] is not None:
            for h in h_out[c % 2]:
                h.wait()
        compute(idx_bufs[c % 2], out_bufs[c % 2])
        h_out[c % 2] = [
            pltpu.async_copy(
                out_bufs[c % 2].at[pl.ds(k * CHUNK, CHUNK)],
                out_hbm.at[pl.ds(k * N_IDX + ibase + c * CHUNK, CHUNK)],
                sems_o[c % 2])
            for k in range(EMB)
        ]
        h_idx = h_next
    for hs in h_out:
        if hs is not None:
            for h in hs:
                h.wait()


@functools.partial(jax.jit, static_argnames=())
def _sc_lookup(arg_flat, w_pad):
    mesh = plsc.VectorSubcoreMesh(core_axis_name="c", subcore_axis_name="s")
    f = pl.kernel(
        _sc_body,
        out_type=jax.ShapeDtypeStruct((N_OUT,), jnp.float32),
        mesh=mesh,
        scratch_types=[
            pltpu.VMEM((CHUNK,), jnp.int32),
            pltpu.VMEM((CHUNK,), jnp.int32),
            pltpu.VMEM((CHUNK * EMB,), jnp.float32),
            pltpu.VMEM((CHUNK * EMB,), jnp.float32),
            pltpu.VMEM((30,), jnp.float32),
            pltpu.SemaphoreType.DMA,
            pltpu.SemaphoreType.DMA,
            pltpu.SemaphoreType.DMA,
            pltpu.SemaphoreType.DMA,
        ],
        compiler_params=pltpu.CompilerParams(needs_layout_passes=False),
    )
    return f(arg_flat, w_pad)


def kernel(arg, weight):
    a_flat = (arg.T.astype(jnp.int32)
              .reshape(25, 8, 128, 128)
              .transpose(0, 2, 1, 3)
              .reshape(N_IDX))
    o = _sc_lookup(a_flat, weight.reshape(-1))
    o5 = (o.reshape(EMB, 25, 128, 8, 128)
          .transpose(0, 1, 3, 2, 4)
          .reshape(EMB, NUM_COLS, NUM_ROWS))
    return o5.transpose(2, 1, 0)

# --- scband reference (transcript-rebuilt; emitter-appended) ---
"""Pipeline reference for scband-padded-embedding-89721866813590 (READ-ONLY COPY).

The authoritative reference and input builder live on the scoring server;
editing this copy changes nothing except your own understanding.
"""

import jax, jax.numpy as jnp
import numpy as np

NUM_EMBEDDINGS = 10
EMBED_DIM = 3
PADDING_IDX = 0

def setup_inputs(seed: int = 0) -> dict:
    key = jax.random.key(seed)
    k_idx, k_w = jax.random.split(key)
    arg = jax.random.randint(k_idx, (16384, 200), 0, NUM_EMBEDDINGS, dtype=jnp.int64 if jax.config.jax_enable_x64 else jnp.int32)
    weight = jax.random.normal(k_w, (NUM_EMBEDDINGS, EMBED_DIM), dtype=jnp.float32)
    # torch.nn.Embedding zeros the padding_idx row at init
    weight = weight.at[PADDING_IDX].set(0.0)
    return {"arg": arg, "weight": weight}

def reference(arg, weight):
    # Faithful to torch.nn.Embedding(num_embeddings=10, embedding_dim=3, padding_idx=0):
    # simple row gather; padding row is zeros by construction.
    return jnp.take(weight, arg, axis=0)

if __name__ == "__main__":
    import jax
    _d = setup_inputs()
    print(jax.jit(kernel)(*tuple(_d.values())))

</pallas_src>

<mosaic_0001>
#map = affine_map<(d0, d1) -> (0)>
module attributes {stable_mosaic.version = 14 : i64} {
  func.func @_sc_body(%arg0: i32, %arg1: i32, %arg2: memref<3276800xi32, #tpu.memory_space<hbm>>, %arg3: memref<30xf32, #tpu.memory_space<hbm>>, %arg4: memref<9830400xf32, #tpu.memory_space<hbm>>, %arg5: memref<12800xi32, #tpu.memory_space<vmem>>, %arg6: memref<12800xi32, #tpu.memory_space<vmem>>, %arg7: memref<38400xf32, #tpu.memory_space<vmem>>, %arg8: memref<38400xf32, #tpu.memory_space<vmem>>, %arg9: memref<30xf32, #tpu.memory_space<vmem>>, %arg10: memref<!tpu.dma_semaphore, #tpu.memory_space<semaphore_mem>>, %arg11: memref<!tpu.dma_semaphore, #tpu.memory_space<semaphore_mem>>, %arg12: memref<!tpu.dma_semaphore, #tpu.memory_space<semaphore_mem>>, %arg13: memref<!tpu.dma_semaphore, #tpu.memory_space<semaphore_mem>>) attributes {dimension_semantics = [#tpu.dimension_semantics<core_parallel>, #tpu.dimension_semantics<subcore_parallel>], iteration_bounds = array<i64: 2, 16>, scalar_prefetch = 0 : i64, scratch_operands = 9 : i64, tpu.core_type = #tpu.core_type<sc_vector_subcore>, window_params = [{transform_indices = #map}, {transform_indices = #map}, {transform_indices = #map}]} {
    %mul3A = arith.constant 2 : i32
    %mul3A_0 = arith.muli %arg1, %mul3A : i32
    %add3A = arith.addi %mul3A_0, %arg0 : i32
    %mul3A_1 = arith.constant 102400 : i32
    %mul3A_2 = arith.muli %add3A, %mul3A_1 : i32
    "tpu.region"() ({
      %run_scoped3A = tpu.sem_alloc : memref<!tpu.dma_semaphore, #tpu.memory_space<semaphore_mem>>
      tpu.enqueue_dma source(%arg3 : memref<30xf32, #tpu.memory_space<hbm>>) target(%arg9 : memref<30xf32, #tpu.memory_space<vmem>>) target_semaphore(%run_scoped3A : memref<!tpu.dma_semaphore, #tpu.memory_space<semaphore_mem>>)
      tpu.wait_dma2 semaphore(%run_scoped3A : memref<!tpu.dma_semaphore, #tpu.memory_space<semaphore_mem>>) src(%arg3 : memref<30xf32, #tpu.memory_space<hbm>>) dst(%arg9 : memref<30xf32, #tpu.memory_space<vmem>>)
      tpu.yield
    }) : () -> ()
    %add3A_3 = arith.constant 0 : i32
    %add3A_4 = arith.addi %mul3A_2, %add3A_3 : i32
    %dma_start3A = tpu.memref_slice %arg2[%add3A_4] : memref<3276800xi32, #tpu.memory_space<hbm>> -> memref<12800xi32, #tpu.memory_space<hbm>>
    %dma_start3A_5 = tpu.memref_slice %arg2[%add3A_4] : memref<3276800xi32, #tpu.memory_space<hbm>> -> memref<12800xi32, #tpu.memory_space<hbm>>
    tpu.enqueue_dma source(%dma_start3A_5 : memref<12800xi32, #tpu.memory_space<hbm>>) target(%arg5 : memref<12800xi32, #tpu.memory_space<vmem>>) target_semaphore(%arg10 : memref<!tpu.dma_semaphore, #tpu.memory_space<semaphore_mem>>)
    %add3A_6 = arith.constant 12800 : i32
    %add3A_7 = arith.addi %mul3A_2, %add3A_6 : i32
    %dma_start3A_8 = tpu.memref_slice %arg2[%add3A_7] : memref<3276800xi32, #tpu.memory_space<hbm>> -> memref<12800xi32, #tpu.memory_space<hbm>>
    %dma_start3A_9 = tpu.memref_slice %arg2[%add3A_7] : memref<3276800xi32, #tpu.memory_space<hbm>> -> memref<12800xi32, #tpu.memory_space<hbm>>
    tpu.enqueue_dma source(%dma_start3A_9 : memref<12800xi32, #tpu.memory_space<hbm>>) target(%arg6 : memref<12800xi32, #tpu.memory_space<vmem>>) target_semaphore(%arg11 : memref<!tpu.dma_semaphore, #tpu.memory_space<semaphore_mem>>)
    %dma_wait3A = tpu.memref_slice %arg2[%add3A_4] : memref<3276800xi32, #tpu.memory_space<hbm>> -> memref<12800xi32, #tpu.memory_space<hbm>>
    %dma_wait3A_10 = tpu.memref_slice %arg2[%add3A_4] : memref<3276800xi32, #tpu.memory_space<hbm>> -> memref<12800xi32, #tpu.memory_space<hbm>>
    tpu.wait_dma2 semaphore(%arg10 : memref<!tpu.dma_semaphore, #tpu.memory_space<semaphore_mem>>) src(%dma_wait3A_10 : memref<12800xi32, #tpu.memory_space<hbm>>) dst(%arg5 : memref<12800xi32, #tpu.memory_space<vmem>>)
    %parallel_loop3A = arith.constant 0 : i32
    %parallel_loop3A_11 = arith.constant 800 : i32
    %parallel_loop3A_12 = arith.constant 1 : i32
    scf.for %parallel_loop3A_456 = %parallel_loop3A to %parallel_loop3A_11 step %parallel_loop3A_12  : i32 {
      %parallel_loop3A_457 = arith.constant 16 : i32
      %parallel_loop3A_458 = arith.muli %parallel_loop3A_456, %parallel_loop3A_457 : i32
      %parallel_loop3A_459 = arith.index_cast %parallel_loop3A_458 : i32 to index
      %parallel_loop3A_460 = tpu.vector_load %arg5[%parallel_loop3A_459] {strides = array<i32>} : memref<12800xi32, #tpu.memory_space<vmem>>, vector<16xi32>,
      %parallel_loop3A_461 = arith.constant 3 : i32
      %parallel_loop3A_462 = vector.broadcast %parallel_loop3A_461 : i32 to vector<16xi32>
      %parallel_loop3A_463 = arith.muli %parallel_loop3A_460, %parallel_loop3A_462 : vector<16xi32>
      %parallel_loop3A_464 = arith.constant 0 : i32
      %parallel_loop3A_465 = vector.broadcast %parallel_loop3A_464 : i32 to vector<16xi32>
      %parallel_loop3A_466 = arith.addi %parallel_loop3A_463, %parallel_loop3A_465 : vector<16xi32>
      %parallel_loop3A_467 = tpu.vector_load_idx %arg9[%parallel_loop3A_466] : memref<30xf32, #tpu.memory_space<vmem>>[vector<16xi32>], vector<16xf32>,
      %parallel_loop3A_468 = arith.constant 16 : i32
      %parallel_loop3A_469 = arith.muli %parallel_loop3A_456, %parallel_loop3A_468 : i32
      %parallel_loop3A_470 = arith.constant 0 : i32
      %parallel_loop3A_471 = arith.addi %parallel_loop3A_470, %parallel_loop3A_469 : i32
      %parallel_loop3A_472 = arith.index_cast %parallel_loop3A_471 : i32 to index
      %parallel_loop3A_473 = tpu.vector_load %arg7[%parallel_loop3A_472] {strides = array<i32>} : memref<38400xf32, #tpu.memory_space<vmem>>, vector<16xf32>,
      tpu.vector_store %arg7[%parallel_loop3A_472], %parallel_loop3A_467 {strides = array<i32>} : memref<38400xf32, #tpu.memory_space<vmem>>, vector<16xf32>,
      %parallel_loop3A_474 = arith.constant 1 : i32
      %parallel_loop3A_475 = vector.broadcast %parallel_loop3A_474 : i32 to vector<16xi32>
      %parallel_loop3A_476 = arith.addi %parallel_loop3A_463, %parallel_loop3A_475 : vector<16xi32>
      %parallel_loop3A_477 = tpu.vector_load_idx %arg9[%parallel_loop3A_476] : memref<30xf32, #tpu.memory_space<vmem>>[vector<16xi32>], vector<16xf32>,
      %parallel_loop3A_478 = arith.constant 16 : i32
      %parallel_loop3A_479 = arith.muli %parallel_loop3A_456, %parallel_loop3A_478 : i32
      %parallel_loop3A_480 = arith.constant 12800 : i32
      %parallel_loop3A_481 = arith.addi %parallel_loop3A_480, %parallel_loop3A_479 : i32
      %parallel_loop3A_482 = arith.index_cast %parallel_loop3A_481 : i32 to index
      %parallel_loop3A_483 = tpu.vector_load %arg7[%parallel_loop3A_482] {strides = array<i32>} : memref<38400xf32, #tpu.memory_space<vmem>>, vector<16xf32>,
      tpu.vector_store %arg7[%parallel_loop3A_482], %parallel_loop3A_477 {strides = array<i32>} : memref<38400xf32, #tpu.memory_space<vmem>>, vector<16xf32>,
      %parallel_loop3A_484 = arith.constant 2 : i32
      %parallel_loop3A_485 = vector.broadcast %parallel_loop3A_484 : i32 to vector<16xi32>
      %parallel_loop3A_486 = arith.addi %parallel_loop3A_463, %parallel_loop3A_485 : vector<16xi32>
      %parallel_loop3A_487 = tpu.vector_load_idx %arg9[%parallel_loop3A_486] : memref<30xf32, #tpu.memory_space<vmem>>[vector<16xi32>], vector<16xf32>,
      %parallel_loop3A_488 = arith.constant 16 : i32
      %parallel_loop3A_489 = arith.muli %parallel_loop3A_456, %parallel_loop3A_488 : i32
      %parallel_loop3A_490 = arith.constant 25600 : i32
      %parallel_loop3A_491 = arith.addi %parallel_loop3A_490, %parallel_loop3A_489 : i32
      %parallel_loop3A_492 = arith.index_cast %parallel_loop3A_491 : i32 to index
      %parallel_loop3A_493 = tpu.vector_load %arg7[%parallel_loop3A_492] {strides = array<i32>} : memref<38400xf32, #tpu.memory_space<vmem>>, vector<16xf32>,
      tpu.vector_store %arg7[%parallel_loop3A_492], %parallel_loop3A_487 {strides = array<i32>} : memref<38400xf32, #tpu.memory_space<vmem>>, vector<16xf32>,
    } {sc.loop_unroll_factor = 8 : i64, sc.parallel_access}
    %add3A_13 = arith.constant 0 : i32
    %add3A_14 = arith.addi %add3A_13, %mul3A_2 : i32
    %add3A_15 = arith.constant 0 : i32
    %add3A_16 = arith.addi %add3A_14, %add3A_15 : i32
    %dma_start3A_17 = arith.constant 0 : i32
    %dma_start3A_18 = tpu.memref_slice %arg7[%dma_start3A_17] : memref<38400xf32, #tpu.memory_space<vmem>> -> memref<12800xf32, #tpu.memory_space<vmem>>
    %dma_start3A_19 = tpu.memref_slice %arg4[%add3A_16] : memref<9830400xf32, #tpu.memory_space<hbm>> -> memref<12800xf32, #tpu.memory_space<hbm>>
    %dma_start3A_20 = tpu.memref_slice %arg4[%add3A_16] : memref<9830400xf32, #tpu.memory_space<hbm>> -> memref<12800xf32, #tpu.memory_space<hbm>>
    %dma_start3A_21 = arith.constant 0 : i32
    %dma_start3A_22 = tpu.memref_slice %arg7[%dma_start3A_21] : memref<38400xf32, #tpu.memory_space<vmem>> -> memref<12800xf32, #tpu.memory_space<vmem>>
    tpu.enqueue_dma source(%dma_start3A_22 : memref<12800xf32, #tpu.memory_space<vmem>>) target(%dma_start3A_20 : memref<12800xf32, #tpu.memory_space<hbm>>) target_semaphore(%arg12 : memref<!tpu.dma_semaphore, #tpu.memory_space<semaphore_mem>>)
    %add3A_23 = arith.constant 3276800 : i32
    %add3A_24 = arith.addi %add3A_23, %mul3A_2 : i32
    %add3A_25 = arith.constant 0 : i32
    %add3A_26 = arith.addi %add3A_24, %add3A_25 : i32
    %dma_start3A_27 = arith.constant 12800 : i32
    %dma_start3A_28 = tpu.memref_slice %arg7[%dma_start3A_27] : memref<38400xf32, #tpu.memory_space<vmem>> -> memref<12800xf32, #tpu.memory_space<vmem>>
    %dma_start3A_29 = tpu.memref_slice %arg4[%add3A_26] : memref<9830400xf32, #tpu.memory_space<hbm>> -> memref<12800xf32, #tpu.memory_space<hbm>>
    %dma_start3A_30 = tpu.memref_slice %arg4[%add3A_26] : memref<9830400xf32, #tpu.memory_space<hbm>> -> memref<12800xf32, #tpu.memory_space<hbm>>
    %dma_start3A_31 = arith.constant 12800 : i32
    %dma_start3A_32 = tpu.memref_slice %arg7[%dma_start3A_31] : memref<38400xf32, #tpu.memory_space<vmem>> -> memref<12800xf32, #tpu.memory_space<vmem>>
    tpu.enqueue_dma source(%dma_start3A_32 : memref<12800xf32, #tpu.memory_space<vmem>>) target(%dma_start3A_30 : memref<12800xf32, #tpu.memory_space<hbm>>) target_semaphore(%arg12 : memref<!tpu.dma_semaphore, #tpu.memory_space<semaphore_mem>>)
    %add3A_33 = arith.constant 6553600 : i32
    %add3A_34 = arith.addi %add3A_33, %mul3A_2 : i32
    %add3A_35 = arith.constant 0 : i32
    %add3A_36 = arith.addi %add3A_34, %add3A_35 : i32
    %dma_start3A_37 = arith.constant 25600 : i32
    %dma_start3A_38 = tpu.memref_slice %arg7[%dma_start3A_37] : memref<38400xf32, #tpu.memory_space<vmem>> -> memref<12800xf32, #tpu.memory_space<vmem>>
    %dma_start3A_39 = tpu.memref_slice %arg4[%add3A_36] : memref<9830400xf32, #tpu.memory_space<hbm>> -> memref<12800xf32, #tpu.memory_space<hbm>>
    %dma_start3A_40 = tpu.memref_slice %arg4[%add3A_36] : memref<9830400xf32, #tpu.memory_space<hbm>> -> memref<12800xf32, #tpu.memory_space<hbm>>
    %dma_start3A_41 = arith.constant 25600 : i32
    %dma_start3A_42 = tpu.memref_slice %arg7[%dma_start3A_41] : memref<38400xf32, #tpu.memory_space<vmem>> -> memref<12800xf32, #tpu.memory_space<vmem>>
    tpu.enqueue_dma source(%dma_start3A_42 : memref<12800xf32, #tpu.memory_space<vmem>>) target(%dma_start3A_40 : memref<12800xf32, #tpu.memory_space<hbm>>) target_semaphore(%arg12 : memref<!tpu.dma_semaphore, #tpu.memory_space<semaphore_mem>>)
    %add3A_43 = arith.constant 25600 : i32
    %add3A_44 = arith.addi %mul3A_2, %add3A_43 : i32
    %dma_start3A_45 = tpu.memref_slice %arg2[%add3A_44] : memref<3276800xi32, #tpu.memory_space<hbm>> -> memref<12800xi32, #tpu.memory_space<hbm>>
    %dma_start3A_46 = tpu.memref_slice %arg2[%add3A_44] : memref<3276800xi32, #tpu.memory_space<hbm>> -> memref<12800xi32, #tpu.memory_space<hbm>>
    tpu.enqueue_dma source(%dma_start3A_46 : memref<12800xi32, #tpu.memory_space<hbm>>) target(%arg5 : memref<12800xi32, #tpu.memory_space<vmem>>) target_semaphore(%arg10 : memref<!tpu.dma_semaphore, #tpu.memory_space<semaphore_mem>>)
    %dma_wait3A_47 = tpu.memref_slice %arg2[%add3A_7] : memref<3276800xi32, #tpu.memory_space<hbm>> -> memref<12800xi32, #tpu.memory_space<hbm>>
    %dma_wait3A_48 = tpu.memref_slice %arg2[%add3A_7] : memref<3276800xi32, #tpu.memory_space<hbm>> -> memref<12800xi32, #tpu.memory_space<hbm>>
    tpu.wait_dma2 semaphore(%arg11 : memref<!tpu.dma_semaphore, #tpu.memory_space<semaphore_mem>>) src(%dma_wait3A_48 : memref<12800xi32, #tpu.memory_space<hbm>>) dst(%arg6 : memref<12800xi32, #tpu.memory_space<vmem>>)
    %parallel_loop3A_49 = arith.constant 0 : i32
    %parallel_loop3A_50 = arith.constant 800 : i32
    %parallel_loop3A_51 = arith.constant 1 : i32
    scf.for %parallel_loop3A_456 = %parallel_loop3A_49 to %parallel_loop3A_50 step %parallel_loop3A_51  : i32 {
      %parallel_loop3A_457 = arith.constant 16 : i32
      %parallel_loop3A_458 = arith.muli %parallel_loop3A_456, %parallel_loop3A_457 : i32
      %parallel_loop3A_459 = arith.index_cast %parallel_loop3A_458 : i32 to index
      %parallel_loop3A_460 = tpu.vector_load %arg6[%parallel_loop3A_459] {strides = array<i32>} : memref<12800xi32, #tpu.memory_space<vmem>>, vector<16xi32>,
      %parallel_loop3A_461 = arith.constant 3 : i32
      %parallel_loop3A_462 = vector.broadcast %parallel_loop3A_461 : i32 to vector<16xi32>
      %parallel_loop3A_463 = arith.muli %parallel_loop3A_460, %parallel_loop3A_462 : vector<16xi32>
      %parallel_loop3A_464 = arith.constant 0 : i32
      %parallel_loop3A_465 = vector.broadcast %parallel_loop3A_464 : i32 to vector<16xi32>
      %parallel_loop3A_466 = arith.addi %parallel_loop3A_463, %parallel_loop3A_465 : vector<16xi32>
      %parallel_loop3A_467 = tpu.vector_load_idx %arg9[%parallel_loop3A_466] : memref<30xf32, #tpu.memory_space<vmem>>[vector<16xi32>], vector<16xf32>,
      %parallel_loop3A_468 = arith.constant 16 : i32
      %parallel_loop3A_469 = arith.muli %parallel_loop3A_456, %parallel_loop3A_468 : i32
      %parallel_loop3A_470 = arith.constant 0 : i32
      %parallel_loop3A_471 = arith.addi %parallel_loop3A_470, %parallel_loop3A_469 : i32
      %parallel_loop3A_472 = arith.index_cast %parallel_loop3A_471 : i32 to index
      %parallel_loop3A_473 = tpu.vector_load %arg8[%parallel_loop3A_472] {strides = array<i32>} : memref<38400xf32, #tpu.memory_space<vmem>>, vector<16xf32>,
      tpu.vector_store %arg8[%parallel_loop3A_472], %parallel_loop3A_467 {strides = array<i32>} : memref<38400xf32, #tpu.memory_space<vmem>>, vector<16xf32>,
      %parallel_loop3A_474 = arith.constant 1 : i32
      %parallel_loop3A_475 = vector.broadcast %parallel_loop3A_474 : i32 to vector<16xi32>
      %parallel_loop3A_476 = arith.addi %parallel_loop3A_463, %parallel_loop3A_475 : vector<16xi32>
      %parallel_loop3A_477 = tpu.vector_load_idx %arg9[%parallel_loop3A_476] : memref<30xf32, #tpu.memory_space<vmem>>[vector<16xi32>], vector<16xf32>,
      %parallel_loop3A_478 = arith.constant 16 : i32
      %parallel_loop3A_479 = arith.muli %parallel_loop3A_456, %parallel_loop3A_478 : i32
      %parallel_loop3A_480 = arith.constant 12800 : i32
      %parallel_loop3A_481 = arith.addi %parallel_loop3A_480, %parallel_loop3A_479 : i32
      %parallel_loop3A_482 = arith.index_cast %parallel_loop3A_481 : i32 to index
      %parallel_loop3A_483 = tpu.vector_load %arg8[%parallel_loop3A_482] {strides = array<i32>} : memref<38400xf32, #tpu.memory_space<vmem>>, vector<16xf32>,
      tpu.vector_store %arg8[%parallel_loop3A_482], %parallel_loop3A_477 {strides = array<i32>} : memref<38400xf32, #tpu.memory_space<vmem>>, vector<16xf32>,
      %parallel_loop3A_484 = arith.constant 2 : i32
      %parallel_loop3A_485 = vector.broadcast %parallel_loop3A_484 : i32 to vector<16xi32>
      %parallel_loop3A_486 = arith.addi %parallel_loop3A_463, %parallel_loop3A_485 : vector<16xi32>
      %parallel_loop3A_487 = tpu.vector_load_idx %arg9[%parallel_loop3A_486] : memref<30xf32, #tpu.memory_space<vmem>>[vector<16xi32>], vector<16xf32>,
      %parallel_loop3A_488 = arith.constant 16 : i32
      %parallel_loop3A_489 = arith.muli %parallel_loop3A_456, %parallel_loop3A_488 : i32
      %parallel_loop3A_490 = arith.constant 25600 : i32
      %parallel_loop3A_491 = arith.addi %parallel_loop3A_490, %parallel_loop3A_489 : i32
      %parallel_loop3A_492 = arith.index_cast %parallel_loop3A_491 : i32 to index
      %parallel_loop3A_493 = tpu.vector_load %arg8[%parallel_loop3A_492] {strides = array<i32>} : memref<38400xf32, #tpu.memory_space<vmem>>, vector<16xf32>,
      tpu.vector_store %arg8[%parallel_loop3A_492], %parallel_loop3A_487 {strides = array<i32>} : memref<38400xf32, #tpu.memory_space<vmem>>, vector<16xf32>,
    } {sc.loop_unroll_factor = 8 : i64, sc.parallel_access}
    %add3A_52 = arith.constant 0 : i32
    %add3A_53 = arith.addi %add3A_52, %mul3A_2 : i32
    %add3A_54 = arith.constant 12800 : i32
    %add3A_55 = arith.addi %add3A_53, %add3A_54 : i32
    %dma_start3A_56 = arith.constant 0 : i32
    %dma_start3A_57 = tpu.memref_slice %arg8[%dma_start3A_56] : memref<38400xf32, #tpu.memory_space<vmem>> -> memref<12800xf32, #tpu.memory_space<vmem>>
    %dma_start3A_58 = tpu.memref_slice %arg4[%add3A_55] : memref<9830400xf32, #tpu.memory_space<hbm>> -> memref<12800xf32, #tpu.memory_space<hbm>>
    %dma_start3A_59 = tpu.memref_slice %arg4[%add3A_55] : memref<9830400xf32, #tpu.memory_space<hbm>> -> memref<12800xf32, #tpu.memory_space<hbm>>
    %dma_start3A_60 = arith.constant 0 : i32
    %dma_start3A_61 = tpu.memref_slice %arg8[%dma_start3A_60] : memref<38400xf32, #tpu.memory_space<vmem>> -> memref<12800xf32, #tpu.memory_space<vmem>>
    tpu.enqueue_dma source(%dma_start3A_61 : memref<12800xf32, #tpu.memory_space<vmem>>) target(%dma_start3A_59 : memref<12800xf32, #tpu.memory_space<hbm>>) target_semaphore(%arg13 : memref<!tpu.dma_semaphore, #tpu.memory_space<semaphore_mem>>)
    %add3A_62 = arith.constant 3276800 : i32
    %add3A_63 = arith.addi %add3A_62, %mul3A_2 : i32
    %add3A_64 = arith.constant 12800 : i32
    %add3A_65 = arith.addi %add3A_63, %add3A_64 : i32
    %dma_start3A_66 = arith.constant 12800 : i32
    %dma_start3A_67 = tpu.memref_slice %arg8[%dma_start3A_66] : memref<38400xf32, #tpu.memory_space<vmem>> -> memref<12800xf32, #tpu.memory_space<vmem>>
    %dma_start3A_68 = tpu.memref_slice %arg4[%add3A_65] : memref<9830400xf32, #tpu.memory_space<hbm>> -> memref<12800xf32, #tpu.memory_space<hbm>>
    %dma_start3A_69 = tpu.memref_slice %arg4[%add3A_65] : memref<9830400xf32, #tpu.memory_space<hbm>> -> memref<12800xf32, #tpu.memory_space<hbm>>
    %dma_start3A_70 = arith.constant 12800 : i32
    %dma_start3A_71 = tpu.memref_slice %arg8[%dma_start3A_70] : memref<38400xf32, #tpu.memory_space<vmem>> -> memref<12800xf32, #tpu.memory_space<vmem>>
    tpu.enqueue_dma source(%dma_start3A_71 : memref<12800xf32, #tpu.memory_space<vmem>>) target(%dma_start3A_69 : memref<12800xf32, #tpu.memory_space<hbm>>) target_semaphore(%arg13 : memref<!tpu.dma_semaphore, #tpu.memory_space<semaphore_mem>>)
    %add3A_72 = arith.constant 6553600 : i32
    %add3A_73 = arith.addi %add3A_72, %mul3A_2 : i32
    %add3A_74 = arith.constant 12800 : i32
    %add3A_75 = arith.addi %add3A_73, %add3A_74 : i32
    %dma_start3A_76 = arith.constant 25600 : i32
    %dma_start3A_77 = tpu.memref_slice %arg8[%dma_start3A_76] : memref<38400xf32, #tpu.memory_space<vmem>> -> memref<12800xf32, #tpu.memory_space<vmem>>
    %dma_start3A_78 = tpu.memref_slice %arg4[%add3A_75] : memref<9830400xf32, #tpu.memory_space<hbm>> -> memref<12800xf32, #tpu.memory_space<hbm>>
    %dma_start3A_79 = tpu.memref_slice %arg4[%add3A_75] : memref<9830400xf32, #tpu.memory_space<hbm>> -> memref<12800xf32, #tpu.memory_space<hbm>>
    %dma_start3A_80 = arith.constant 25600 : i32
    %dma_start3A_81 = tpu.memref_slice %arg8[%dma_start3A_80] : memref<38400xf32, #tpu.memory_space<vmem>> -> memref<12800xf32, #tpu.memory_space<vmem>>
    tpu.enqueue_dma source(%dma_start3A_81 : memref<12800xf32, #tpu.memory_space<vmem>>) target(%dma_start3A_79 : memref<12800xf32, #tpu.memory_space<hbm>>) target_semaphore(%arg13 : memref<!tpu.dma_semaphore, #tpu.memory_space<semaphore_mem>>)
    %add3A_82 = arith.constant 38400 : i32
    %add3A_83 = arith.addi %mul3A_2, %add3A_82 : i32
    %dma_start3A_84 = tpu.memref_slice %arg2[%add3A_83] : memref<3276800xi32, #tpu.memory_space<hbm>> -> memref<12800xi32, #tpu.memory_space<hbm>>
    %dma_start3A_85 = tpu.memref_slice %arg2[%add3A_83] : memref<3276800xi32, #tpu.memory_space<hbm>> -> memref<12800xi32, #tpu.memory_space<hbm>>
    tpu.enqueue_dma source(%dma_start3A_85 : memref<12800xi32, #tpu.memory_space<hbm>>) target(%arg6 : memref<12800xi32, #tpu.memory_space<vmem>>) target_semaphore(%arg11 : memref<!tpu.dma_semaphore, #tpu.memory_space<semaphore_mem>>)
    %dma_wait3A_86 = tpu.memref_slice %arg2[%add3A_44] : memref<3276800xi32, #tpu.memory_space<hbm>> -> memref<12800xi32, #tpu.memory_space<hbm>>
    %dma_wait3A_87 = tpu.memref_slice %arg2[%add3A_44] : memref<3276800xi32, #tpu.memory_space<hbm>> -> memref<12800xi32, #tpu.memory_space<hbm>>
    tpu.wait_dma2 semaphore(%arg10 : memref<!tpu.dma_semaphore, #tpu.memory_space<semaphore_mem>>) src(%dma_wait3A_87 : memref<12800xi32, #tpu.memory_space<hbm>>) dst(%arg5 : memref<12800xi32, #tpu.memory_space<vmem>>)
    %dma_wait3A_88 = arith.constant 0 : i32
    %dma_wait3A_89 = tpu.memref_slice %arg7[%dma_wait3A_88] : memref<38400xf32, #tpu.memory_space<vmem>> -> memref<12800xf32, #tpu.memory_space<vmem>>
    %dma_wait3A_90 = tpu.memref_slice %arg4[%add3A_16] : memref<9830400xf32, #tpu.memory_space<hbm>> -> memref<12800xf32, #tpu.memory_space<hbm>>
    %dma_wait3A_91 = tpu.memref_slice %arg4[%add3A_16] : memref<9830400xf32, #tpu.memory_space<hbm>> -> memref<12800xf32, #tpu.memory_space<hbm>>
    %dma_wait3A_92 = arith.constant 0 : i32
    %dma_wait3A_93 = tpu.memref_slice %arg7[%dma_wait3A_92] : memref<38400xf32, #tpu.memory_space<vmem>> -> memref<12800xf32, #tpu.memory_space<vmem>>
    tpu.wait_dma2 semaphore(%arg12 : memref<!tpu.dma_semaphore, #tpu.memory_space<semaphore_mem>>) src(%dma_wait3A_93 : memref<12800xf32, #tpu.memory_space<vmem>>) dst(%dma_wait3A_91 : memref<12800xf32, #tpu.memory_space<hbm>>)
    %dma_wait3A_94 = arith.constant 12800 : i32
    %dma_wait3A_95 = tpu.memref_slice %arg7[%dma_wait3A_94] : memref<38400xf32, #tpu.memory_space<vmem>> -> memref<12800xf32, #tpu.memory_space<vmem>>
    %dma_wait3A_96 = tpu.memref_slice %arg4[%add3A_26] : memref<9830400xf32, #tpu.memory_space<hbm>> -> memref<12800xf32, #tpu.memory_space<hbm>>
    %dma_wait3A_97 = tpu.memref_slice %arg4[%add3A_26] : memref<9830400xf32, #tpu.memory_space<hbm>> -> memref<12800xf32, #tpu.memory_space<hbm>>
    %dma_wait3A_98 = arith.constant 12800 : i32
    %dma_wait3A_99 = tpu.memref_slice %arg7[%dma_wait3A_98] : memref<38400xf32, #tpu.memory_space<vmem>> -> memref<12800xf32, #tpu.memory_space<vmem>>
    tpu.wait_dma2 semaphore(%arg12 : memref<!tpu.dma_semaphore, #tpu.memory_space<semaphore_mem>>) src(%dma_wait3A_99 : memref<12800xf32, #tpu.memory_space<vmem>>) dst(%dma_wait3A_97 : memref<12800xf32, #tpu.memory_space<hbm>>)
    %dma_wait3A_100 = arith.constant 25600 : i32
    %dma_wait3A_101 = tpu.memref_slice %arg7[%dma_wait3A_100] : memref<38400xf32, #tpu.memory_space<vmem>> -> memref<12800xf32, #tpu.memory_space<vmem>>
    %dma_wait3A_102 = tpu.memref_slice %arg4[%add3A_36] : memref<9830400xf32, #tpu.memory_space<hbm>> -> memref<12800xf32, #tpu.memory_space<hbm>>
    %dma_wait3A_103 = tpu.memref_slice %arg4[%add3A_36] : memref<9830400xf32, #tpu.memory_space<hbm>> -> memref<12800xf32, #tpu.memory_space<hbm>>
    %dma_wait3A_104 = arith.constant 25600 : i32
    %dma_wait3A_105 = tpu.memref_slice %arg7[%dma_wait3A_104] : memref<38400xf32, #tpu.memory_space<vmem>> -> memref<12800xf32, #tpu.memory_space<vmem>>
    tpu.wait_dma2 semaphore(%arg12 : memref<!tpu.dma_semaphore, #tpu.memory_space<semaphore_mem>>) src(%dma_wait3A_105 : memref<12800xf32, #tpu.memory_space<vmem>>) dst(%dma_wait3A_103 : memref<12800xf32, #tpu.memory_space<hbm>>)
    %parallel_loop3A_106 = arith.constant 0 : i32
    %parallel_loop3A_107 = arith.constant 800 : i32
    %parallel_loop3A_108 = arith.constant 1 : i32
    scf.for %parallel_loop3A_456 = %parallel_loop3A_106 to %parallel_loop3A_107 step %parallel_loop3A_108  : i32 {
      %parallel_loop3A_457 = arith.constant 16 : i32
      %parallel_loop3A_458 = arith.muli %parallel_loop3A_456, %parallel_loop3A_457 : i32
      %parallel_loop3A_459 = arith.index_cast %parallel_loop3A_458 : i32 to index
      %parallel_loop3A_460 = tpu.vector_load %arg5[%parallel_loop3A_459] {strides = array<i32>} : memref<12800xi32, #tpu.memory_space<vmem>>, vector<16xi32>,
      %parallel_loop3A_461 = arith.constant 3 : i32
      %parallel_loop3A_462 = vector.broadcast %parallel_loop3A_461 : i32 to vector<16xi32>
      %parallel_loop3A_463 = arith.muli %parallel_loop3A_460, %parallel_loop3A_462 : vector<16xi32>
      %parallel_loop3A_464 = arith.constant 0 : i32
      %parallel_loop3A_465 = vector.broadcast %parallel_loop3A_464 : i32 to vector<16xi32>
      %parallel_loop3A_466 = arith.addi %parallel_loop3A_463, %parallel_loop3A_465 : vector<16xi32>
      %parallel_loop3A_467 = tpu.vector_load_idx %arg9[%parallel_loop3A_466] : memref<30xf32, #tpu.memory_space<vmem>>[vector<16xi32>], vector<16xf32>,
      %parallel_loop3A_468 = arith.constant 16 : i32
      %parallel_loop3A_469 = arith.muli %parallel_loop3A_456, %parallel_loop3A_468 : i32
      %parallel_loop3A_470 = arith.constant 0 : i32
      %parallel_loop3A_471 = arith.addi %parallel_loop3A_470, %parallel_loop3A_469 : i32
      %parallel_loop3A_472 = arith.index_cast %parallel_loop3A_471 : i32 to index
      %parallel_loop3A_473 = tpu.vector_load %arg7[%parallel_loop3A_472] {strides = array<i32>} : memref<38400xf32, #tpu.memory_space<vmem>>, vector<16xf32>,
      tpu.vector_store %arg7[%parallel_loop3A_472], %parallel_loop3A_467 {strides = array<i32>} : memref<38400xf32, #tpu.memory_space<vmem>>, vector<16xf32>,
      %parallel_loop3A_474 = arith.constant 1 : i32
      %parallel_loop3A_475 = vector.broadcast %parallel_loop3A_474 : i32 to vector<16xi32>
      %parallel_loop3A_476 = arith.addi %parallel_loop3A_463, %parallel_loop3A_475 : vector<16xi32>
      %parallel_loop3A_477 = tpu.vector_load_idx %arg9[%parallel_loop3A_476] : memref<30xf32, #tpu.memory_space<vmem>>[vector<16xi32>], vector<16xf32>,
      %parallel_loop3A_478 = arith.constant 16 : i32
      %parallel_loop3A_479 = arith.muli %parallel_loop3A_456, %parallel_loop3A_478 : i32
      %parallel_loop3A_480 = arith.constant 12800 : i32
      %parallel_loop3A_481 = arith.addi %parallel_loop3A_480, %parallel_loop3A_479 : i32
      %parallel_loop3A_482 = arith.index_cast %parallel_loop3A_481 : i32 to index
      %parallel_loop3A_483 = tpu.vector_load %arg7[%parallel_loop3A_482] {strides = array<i32>} : memref<38400xf32, #tpu.memory_space<vmem>>, vector<16xf32>,
      tpu.vector_store %arg7[%parallel_loop3A_482], %parallel_loop3A_477 {strides = array<i32>} : memref<38400xf32, #tpu.memory_space<vmem>>, vector<16xf32>,
      %parallel_loop3A_484 = arith.constant 2 : i32
      %parallel_loop3A_485 = vector.broadcast %parallel_loop3A_484 : i32 to vector<16xi32>
      %parallel_loop3A_486 = arith.addi %parallel_loop3A_463, %parallel_loop3A_485 : vector<16xi32>
      %parallel_loop3A_487 = tpu.vector_load_idx %arg9[%parallel_loop3A_486] : memref<30xf32, #tpu.memory_space<vmem>>[vector<16xi32>], vector<16xf32>,
      %parallel_loop3A_488 = arith.constant 16 : i32
      %parallel_loop3A_489 = arith.muli %parallel_loop3A_456, %parallel_loop3A_488 : i32
      %parallel_loop3A_490 = arith.constant 25600 : i32
      %parallel_loop3A_491 = arith.addi %parallel_loop3A_490, %parallel_loop3A_489 : i32
      %parallel_loop3A_492 = arith.index_cast %parallel_loop3A_491 : i32 to index
      %parallel_loop3A_493 = tpu.vector_load %arg7[%parallel_loop3A_492] {strides = array<i32>} : memref<38400xf32, #tpu.memory_space<vmem>>, vector<16xf32>,
      tpu.vector_store %arg7[%parallel_loop3A_492], %parallel_loop3A_487 {strides = array<i32>} : memref<38400xf32, #tpu.memory_space<vmem>>, vector<16xf32>,
    } {sc.loop_unroll_factor = 8 : i64, sc.parallel_access}
    %add3A_109 = arith.constant 0 : i32
    %add3A_110 = arith.addi %add3A_109, %mul3A_2 : i32
    %add3A_111 = arith.constant 25600 : i32
    %add3A_112 = arith.addi %add3A_110, %add3A_111 : i32
    %dma_start3A_113 = arith.constant 0 : i32
    %dma_start3A_114 = tpu.memref_slice %arg7[%dma_start3A_113] : memref<38400xf32, #tpu.memory_space<vmem>> -> memref<12800xf32, #tpu.memory_space<vmem>>
    %dma_start3A_115 = tpu.memref_slice %arg4[%add3A_112] : memref<9830400xf32, #tpu.memory_space<hbm>> -> memref<12800xf32, #tpu.memory_space<hbm>>
    %dma_start3A_116 = tpu.memref_slice %arg4[%add3A_112] : memref<9830400xf32, #tpu.memory_space<hbm>> -> memref<12800xf32, #tpu.memory_space<hbm>>
    %dma_start3A_117 = arith.constant 0 : i32
    %dma_start3A_118 = tpu.memref_slice %arg7[%dma_start3A_117] : memref<38400xf32, #tpu.memory_space<vmem>> -> memref<12800xf32, #tpu.memory_space<vmem>>
    tpu.enqueue_dma source(%dma_start3A_118 : memref<12800xf32, #tpu.memory_space<vmem>>) target(%dma_start3A_116 : memref<12800xf32, #tpu.memory_space<hbm>>) target_semaphore(%arg12 : memref<!tpu.dma_semaphore, #tpu.memory_space<semaphore_mem>>)
    %add3A_119 = arith.constant 3276800 : i32
    %add3A_120 = arith.addi %add3A_119, %mul3A_2 : i32
    %add3A_121 = arith.constant 25600 : i32
    %add3A_122 = arith.addi %add3A_120, %add3A_121 : i32
    %dma_start3A_123 = arith.constant 12800 : i32
    %dma_start3A_124 = tpu.memref_slice %arg7[%dma_start3A_123] : memref<38400xf32, #tpu.memory_space<vmem>> -> memref<12800xf32, #tpu.memory_space<vmem>>
    %dma_start3A_125 = tpu.memref_slice %arg4[%add3A_122] : memref<9830400xf32, #tpu.memory_space<hbm>> -> memref<12800xf32, #tpu.memory_space<hbm>>
    %dma_start3A_126 = tpu.memref_slice %arg4[%add3A_122] : memref<9830400xf32, #tpu.memory_space<hbm>> -> memref<12800xf32, #tpu.memory_space<hbm>>
    %dma_start3A_127 = arith.constant 12800 : i32
    %dma_start3A_128 = tpu.memref_slice %arg7[%dma_start3A_127] : memref<38400xf32, #tpu.memory_space<vmem>> -> memref<12800xf32, #tpu.memory_space<vmem>>
    tpu.enqueue_dma source(%dma_start3A_128 : memref<12800xf32, #tpu.memory_space<vmem>>) target(%dma_start3A_126 : memref<12800xf32, #tpu.memory_space<hbm>>) target_semaphore(%arg12 : memref<!tpu.dma_semaphore, #tpu.memory_space<semaphore_mem>>)
    %add3A_129 = arith.constant 6553600 : i32
    %add3A_130 = arith.addi %add3A_129, %mul3A_2 : i32
    %add3A_131 = arith.constant 25600 : i32
    %add3A_132 = arith.addi %add3A_130, %add3A_131 : i32
    %dma_start3A_133 = arith.constant 25600 : i32
    %dma_start3A_134 = tpu.memref_slice %arg7[%dma_start3A_133] : memref<38400xf32, #tpu.memory_space<vmem>> -> memref<12800xf32, #tpu.memory_space<vmem>>
    %dma_start3A_135 = tpu.memref_slice %arg4[%add3A_132] : memref<9830400xf32, #tpu.memory_space<hbm>> -> memref<12800xf32, #tpu.memory_space<hbm>>
    %dma_start3A_136 = tpu.memref_slice %arg4[%add3A_132] : memref<9830400xf32, #tpu.memory_space<hbm>> -> memref<12800xf32, #tpu.memory_space<hbm>>
    %dma_start3A_137 = arith.constant 25600 : i32
    %dma_start3A_138 = tpu.memref_slice %arg7[%dma_start3A_137] : memref<38400xf32, #tpu.memory_space<vmem>> -> memref<12800xf32, #tpu.memory_space<vmem>>
    tpu.enqueue_dma source(%dma_start3A_138 : memref<12800xf32, #tpu.memory_space<vmem>>) target(%dma_start3A_136 : memref<12800xf32, #tpu.memory_space<hbm>>) target_semaphore(%arg12 : memref<!tpu.dma_semaphore, #tpu.memory_space<semaphore_mem>>)
    %add3A_139 = arith.constant 51200 : i32
    %add3A_140 = arith.addi %mul3A_2, %add3A_139 : i32
    %dma_start3A_141 = tpu.memref_slice %arg2[%add3A_140] : memref<3276800xi32, #tpu.memory_space<hbm>> -> memref<12800xi32, #tpu.memory_space<hbm>>
    %dma_start3A_142 = tpu.memref_slice %arg2[%add3A_140] : memref<3276800xi32, #tpu.memory_space<hbm>> -> memref<12800xi32, #tpu.memory_space<hbm>>
    tpu.enqueue_dma source(%dma_start3A_142 : memref<12800xi32, #tpu.memory_space<hbm>>) target(%arg5 : memref<12800xi32, #tpu.memory_space<vmem>>) target_semaphore(%arg10 : memref<!tpu.dma_semaphore, #tpu.memory_space<semaphore_mem>>)
    %dma_wait3A_143 = tpu.memref_slice %arg2[%add3A_83] : memref<3276800xi32, #tpu.memory_space<hbm>> -> memref<12800xi32, #tpu.memory_space<hbm>>
    %dma_wait3A_144 = tpu.memref_slice %arg2[%add3A_83] : memref<3276800xi32, #tpu.memory_space<hbm>> -> memref<12800xi32, #tpu.memory_space<hbm>>
    tpu.wait_dma2 semaphore(%arg11 : memref<!tpu.dma_semaphore, #tpu.memory_space<semaphore_mem>>) src(%dma_wait3A_144 : memref<12800xi32, #tpu.memory_space<hbm>>) dst(%arg6 : memref<12800xi32, #tpu.memory_space<vmem>>)
    %dma_wait3A_145 = arith.constant 0 : i32
    %dma_wait3A_146 = tpu.memref_slice %arg8[%dma_wait3A_145] : memref<38400xf32, #tpu.memory_space<vmem>> -> memref<12800xf32, #tpu.memory_space<vmem>>
    %dma_wait3A_147 = tpu.memref_slice %arg4[%add3A_55] : memref<9830400xf32, #tpu.memory_space<hbm>> -> memref<12800xf32, #tpu.memory_space<hbm>>
    %dma_wait3A_148 = tpu.memref_slice %arg4[%add3A_55] : memref<9830400xf32, #tpu.memory_space<hbm>> -> memref<12800xf32, #tpu.memory_space<hbm>>
    %dma_wait3A_149 = arith.constant 0 : i32
    %dma_wait3A_150 = tpu.memref_slice %arg8[%dma_wait3A_149] : memref<38400xf32, #tpu.memory_space<vmem>> -> memref<12800xf32, #tpu.memory_space<vmem>>
    tpu.wait_dma2 semaphore(%arg13 : memref<!tpu.dma_semaphore, #tpu.memory_space<semaphore_mem>>) src(%dma_wait3A_150 : memref<12800xf32, #tpu.memory_space<vmem>>) dst(%dma_wait3A_148 : memref<12800xf32, #tpu.memory_space<hbm>>)
    %dma_wait3A_151 = arith.constant 12800 : i32
    %dma_wait3A_152 = tpu.memref_slice %arg8[%dma_wait3A_151] : memref<38400xf32, #tpu.memory_space<vmem>> -> memref<12800xf32, #tpu.memory_space<vmem>>
    %dma_wait3A_153 = tpu.memref_slice %arg4[%add3A_65] : memref<9830400xf32, #tpu.memory_space<hbm>> -> memref<12800xf32, #tpu.memory_space<hbm>>
    %dma_wait3A_154 = tpu.memref_slice %arg4[%add3A_65] : memref<9830400xf32, #tpu.memory_space<hbm>> -> memref<12800xf32, #tpu.memory_space<hbm>>
    %dma_wait3A_155 = arith.constant 12800 : i32
    %dma_wait3A_156 = tpu.memref_slice %arg8[%dma_wait3A_155] : memref<38400xf32, #tpu.memory_space<vmem>> -> memref<12800xf32, #tpu.memory_space<vmem>>
    tpu.wait_dma2 semaphore(%arg13 : memref<!tpu.dma_semaphore, #tpu.memory_space<semaphore_mem>>) src(%dma_wait3A_156 : memref<12800xf32, #tpu.memory_space<vmem>>) dst(%dma_wait3A_154 : memref<12800xf32, #tpu.memory_space<hbm>>)
    %dma_wait3A_157 = arith.constant 25600 : i32
    %dma_wait3A_158 = tpu.memref_slice %arg8[%dma_wait3A_157] : memref<38400xf32, #tpu.memory_space<vmem>> -> memref<12800xf32, #tpu.memory_space<vmem>>
    %dma_wait3A_159 = tpu.memref_slice %arg4[%add3A_75] : memref<9830400xf32, #tpu.memory_space<hbm>> -> memref<12800xf32, #tpu.memory_space<hbm>>
    %dma_wait3A_160 = tpu.memref_slice %arg4[%add3A_75] : memref<9830400xf32, #tpu.memory_space<hbm>> -> memref<12800xf32, #tpu.memory_space<hbm>>
    %dma_wait3A_161 = arith.constant 25600 : i32
    %dma_wait3A_162 = tpu.memref_slice %arg8[%dma_wait3A_161] : memref<38400xf32, #tpu.memory_space<vmem>> -> memref<12800xf32, #tpu.memory_space<vmem>>
    tpu.wait_dma2 semaphore(%arg13 : memref<!tpu.dma_semaphore, #tpu.memory_space<semaphore_mem>>) src(%dma_wait3A_162 : memref<12800xf32, #tpu.memory_space<vmem>>) dst(%dma_wait3A_160 : memref<12800xf32, #tpu.memory_space<hbm>>)
    %parallel_loop3A_163 = arith.constant 0 : i32
    %parallel_loop3A_164 = arith.constant 800 : i32
    %parallel_loop3A_165 = arith.constant 1 : i32
    scf.for %parallel_loop3A_456 = %parallel_loop3A_163 to %parallel_loop3A_164 step %parallel_loop3A_165  : i32 {
      %parallel_loop3A_457 = arith.constant 16 : i32
      %parallel_loop3A_458 = arith.muli %parallel_loop3A_456, %parallel_loop3A_457 : i32
      %parallel_loop3A_459 = arith.index_cast %parallel_loop3A_458 : i32 to index
      %parallel_loop3A_460 = tpu.vector_load %arg6[%parallel_loop3A_459] {strides = array<i32>} : memref<12800xi32, #tpu.memory_space<vmem>>, vector<16xi32>,
      %parallel_loop3A_461 = arith.constant 3 : i32
      %parallel_loop3A_462 = vector.broadcast %parallel_loop3A_461 : i32 to vector<16xi32>
      %parallel_loop3A_463 = arith.muli %parallel_loop3A_460, %parallel_loop3A_462 : vector<16xi32>
      %parallel_loop3A_464 = arith.constant 0 : i32
      %parallel_loop3A_465 = vector.broadcast %parallel_loop3A_464 : i32 to vector<16xi32>
      %parallel_loop3A_466 = arith.addi %parallel_loop3A_463, %parallel_loop3A_465 : vector<16xi32>
      %parallel_loop3A_467 = tpu.vector_load_idx %arg9[%parallel_loop3A_466] : memref<30xf32, #tpu.memory_space<vmem>>[vector<16xi32>], vector<16xf32>,
      %parallel_loop3A_468 = arith.constant 16 : i32
      %parallel_loop3A_469 = arith.muli %parallel_loop3A_456, %parallel_loop3A_468 : i32
      %parallel_loop3A_470 = arith.constant 0 : i32
      %parallel_loop3A_471 = arith.addi %parallel_loop3A_470, %parallel_loop3A_469 : i32
      %parallel_loop3A_472 = arith.index_cast %parallel_loop3A_471 : i32 to index
      %parallel_loop3A_473 = tpu.vector_load %arg8[%parallel_loop3A_472] {strides = array<i32>} : memref<38400xf32, #tpu.memory_space<vmem>>, vector<16xf32>,
      tpu.vector_store %arg8[%parallel_loop3A_472], %parallel_loop3A_467 {strides = array<i32>} : memref<38400xf32, #tpu.memory_space<vmem>>, vector<16xf32>,
      %parallel_loop3A_474 = arith.constant 1 : i32
      %parallel_loop3A_475 = vector.broadcast %parallel_loop3A_474 : i32 to vector<16xi32>
      %parallel_loop3A_476 = arith.addi %parallel_loop3A_463, %parallel_loop3A_475 : vector<16xi32>
      %parallel_loop3A_477 = tpu.vector_load_idx %arg9[%parallel_loop3A_476] : memref<30xf32, #tpu.memory_space<vmem>>[vector<16xi32>], vector<16xf32>,
      %parallel_loop3A_478 = arith.constant 16 : i32
      %parallel_loop3A_479 = arith.muli %parallel_loop3A_456, %parallel_loop3A_478 : i32
      %parallel_loop3A_480 = arith.constant 12800 : i32
      %parallel_loop3A_481 = arith.addi %parallel_loop3A_480, %parallel_loop3A_479 : i32
      %parallel_loop3A_482 = arith.index_cast %parallel_loop3A_481 : i32 to index
      %parallel_loop3A_483 = tpu.vector_load %arg8[%parallel_loop3A_482] {strides = array<i32>} : memref<38400xf32, #tpu.memory_space<vmem>>, vector<16xf32>,
      tpu.vector_store %arg8[%parallel_loop3A_482], %parallel_loop3A_477 {strides = array<i32>} : memref<38400xf32, #tpu.memory_space<vmem>>, vector<16xf32>,
      %parallel_loop3A_484 = arith.constant 2 : i32
      %parallel_loop3A_485 = vector.broadcast %parallel_loop3A_484 : i32 to vector<16xi32>
      %parallel_loop3A_486 = arith.addi %parallel_loop3A_463, %parallel_loop3A_485 : vector<16xi32>
      %parallel_loop3A_487 = tpu.vector_load_idx %arg9[%parallel_loop3A_486] : memref<30xf32, #tpu.memory_space<vmem>>[vector<16xi32>], vector<16xf32>,
      %parallel_loop3A_488 = arith.constant 16 : i32
      %parallel_loop3A_489 = arith.muli %parallel_loop3A_456, %parallel_loop3A_488 : i32
      %parallel_loop3A_490 = arith.constant 25600 : i32
      %parallel_loop3A_491 = arith.addi %parallel_loop3A_490, %parallel_loop3A_489 : i32
      %parallel_loop3A_492 = arith.index_cast %parallel_loop3A_491 : i32 to index
      %parallel_loop3A_493 = tpu.vector_load %arg8[%parallel_loop3A_492] {strides = array<i32>} : memref<38400xf32, #tpu.memory_space<vmem>>, vector<16xf32>,
      tpu.vector_store %arg8[%parallel_loop3A_492], %parallel_loop3A_487 {strides = array<i32>} : memref<38400xf32, #tpu.memory_space<vmem>>, vector<16xf32>,
    } {sc.loop_unroll_factor = 8 : i64, sc.parallel_access}
    %add3A_166 = arith.constant 0 : i32
    %add3A_167 = arith.addi %add3A_166, %mul3A_2 : i32
    %add3A_168 = arith.constant 38400 : i32
    %add3A_169 = arith.addi %add3A_167, %add3A_168 : i32
    %dma_start3A_170 = arith.constant 0 : i32
    %dma_start3A_171 = tpu.memref_slice %arg8[%dma_start3A_170] : memref<38400xf32, #tpu.memory_space<vmem>> -> memref<12800xf32, #tpu.memory_space<vmem>>
    %dma_start3A_172 = tpu.memref_slice %arg4[%add3A_169] : memref<9830400xf32, #tpu.memory_space<hbm>> -> memref<12800xf32, #tpu.memory_space<hbm>>
    %dma_start3A_173 = tpu.memref_slice %arg4[%add3A_169] : memref<9830400xf32, #tpu.memory_space<hbm>> -> memref<12800xf32, #tpu.memory_space<hbm>>
    %dma_start3A_174 = arith.constant 0 : i32
    %dma_start3A_175 = tpu.memref_slice %arg8[%dma_start3A_174] : memref<38400xf32, #tpu.memory_space<vmem>> -> memref<12800xf32, #tpu.memory_space<vmem>>
    tpu.enqueue_dma source(%dma_start3A_175 : memref<12800xf32, #tpu.memory_space<vmem>>) target(%dma_start3A_173 : memref<12800xf32, #tpu.memory_space<hbm>>) target_semaphore(%arg13 : memref<!tpu.dma_semaphore, #tpu.memory_space<semaphore_mem>>)
    %add3A_176 = arith.constant 3276800 : i32
    %add3A_177 = arith.addi %add3A_176, %mul3A_2 : i32
    %add3A_178 = arith.constant 38400 : i32
    %add3A_179 = arith.addi %add3A_177, %add3A_178 : i32
    %dma_start3A_180 = arith.constant 12800 : i32
    %dma_start3A_181 = tpu.memref_slice %arg8[%dma_start3A_180] : memref<38400xf32, #tpu.memory_space<vmem>> -> memref<12800xf32, #tpu.memory_space<vmem>>
    %dma_start3A_182 = tpu.memref_slice %arg4[%add3A_179] : memref<9830400xf32, #tpu.memory_space<hbm>> -> memref<12800xf32, #tpu.memory_space<hbm>>
    %dma_start3A_183 = tpu.memref_slice %arg4[%add3A_179] : memref<9830400xf32, #tpu.memory_space<hbm>> -> memref<12800xf32, #tpu.memory_space<hbm>>
    %dma_start3A_184 = arith.constant 12800 : i32
    %dma_start3A_185 = tpu.memref_slice %arg8[%dma_start3A_184] : memref<38400xf32, #tpu.memory_space<vmem>> -> memref<12800xf32, #tpu.memory_space<vmem>>
    tpu.enqueue_dma source(%dma_start3A_185 : memref<12800xf32, #tpu.memory_space<vmem>>) target(%dma_start3A_183 : memref<12800xf32, #tpu.memory_space<hbm>>) target_semaphore(%arg13 : memref<!tpu.dma_semaphore, #tpu.memory_space<semaphore_mem>>)
    %add3A_186 = arith.constant 6553600 : i32
    %add3A_187 = arith.addi %add3A_186, %mul3A_2 : i32
    %add3A_188 = arith.constant 38400 : i32
    %add3A_189 = arith.addi %add3A_187, %add3A_188 : i32
    %dma_start3A_190 = arith.constant 25600 : i32
    %dma_start3A_191 = tpu.memref_slice %arg8[%dma_start3A_190] : memref<38400xf32, #tpu.memory_space<vmem>> -> memref<12800xf32, #tpu.memory_space<vmem>>
    %dma_start3A_192 = tpu.memref_slice %arg4[%add3A_189] : memref<9830400xf32, #tpu.memory_space<hbm>> -> memref<12800xf32, #tpu.memory_space<hbm>>
    %dma_start3A_193 = tpu.memref_slice %arg4[%add3A_189] : memref<9830400xf32, #tpu.memory_space<hbm>> -> memref<12800xf32, #tpu.memory_space<hbm>>
    %dma_start3A_194 = arith.constant 25600 : i32
    %dma_start3A_195 = tpu.memref_slice %arg8[%dma_start3A_194] : memref<38400xf32, #tpu.memory_space<vmem>> -> memref<12800xf32, #tpu.memory_space<vmem>>
    tpu.enqueue_dma source(%dma_start3A_195 : memref<12800xf32, #tpu.memory_space<vmem>>) target(%dma_start3A_193 : memref<12800xf32, #tpu.memory_space<hbm>>) target_semaphore(%arg13 : memref<!tpu.dma_semaphore, #tpu.memory_space<semaphore_mem>>)
    %add3A_196 = arith.constant 64000 : i32
    %add3A_197 = arith.addi %mul3A_2, %add3A_196 : i32
    %dma_start3A_198 = tpu.memref_slice %arg2[%add3A_197] : memref<3276800xi32, #tpu.memory_space<hbm>> -> memref<12800xi32, #tpu.memory_space<hbm>>
    %dma_start3A_199 = tpu.memref_slice %arg2[%add3A_197] : memref<3276800xi32, #tpu.memory_space<hbm>> -> memref<12800xi32, #tpu.memory_space<hbm>>
    tpu.enqueue_dma source(%dma_start3A_199 : memref<12800xi32, #tpu.memory_space<hbm>>) target(%arg6 : memref<12800xi32, #tpu.memory_space<vmem>>) target_semaphore(%arg11 : memref<!tpu.dma_semaphore, #tpu.memory_space<semaphore_mem>>)
    %dma_wait3A_200 = tpu.memref_slice %arg2[%add3A_140] : memref<3276800xi32, #tpu.memory_space<hbm>> -> memref<12800xi32, #tpu.memory_space<hbm>>
    %dma_wait3A_201 = tpu.memref_slice %arg2[%add3A_140] : memref<3276800xi32, #tpu.memory_space<hbm>> -> memref<12800xi32, #tpu.memory_space<hbm>>
    tpu.wait_dma2 semaphore(%arg10 : memref<!tpu.dma_semaphore, #tpu.memory_space<semaphore_mem>>) src(%dma_wait3A_201 : memref<12800xi32, #tpu.memory_space<hbm>>) dst(%arg5 : memref<12800xi32, #tpu.memory_space<vmem>>)
    %dma_wait3A_202 = arith.constant 0 : i32
    %dma_wait3A_203 = tpu.memref_slice %arg7[%dma_wait3A_202] : memref<38400xf32, #tpu.memory_space<vmem>> -> memref<12800xf32, #tpu.memory_space<vmem>>
    %dma_wait3A_204 = tpu.memref_slice %arg4[%add3A_112] : memref<9830400xf32, #tpu.memory_space<hbm>> -> memref<12800xf32, #tpu.memory_space<hbm>>
    %dma_wait3A_205 = tpu.memref_slice %arg4[%add3A_112] : memref<9830400xf32, #tpu.memory_space<hbm>> -> memref<12800xf32, #tpu.memory_space<hbm>>
    %dma_wait3A_206 = arith.constant 0 : i32
    %dma_wait3A_207 = tpu.memref_slice %arg7[%dma_wait3A_206] : memref<38400xf32, #tpu.memory_space<vmem>> -> memref<12800xf32, #tpu.memory_space<vmem>>
    tpu.wait_dma2 semaphore(%arg12 : memref<!tpu.dma_semaphore, #tpu.memory_space<semaphore_mem>>) src(%dma_wait3A_207 : memref<12800xf32, #tpu.memory_space<vmem>>) dst(%dma_wait3A_205 : memref<12800xf32, #tpu.memory_space<hbm>>)
    %dma_wait3A_208 = arith.constant 12800 : i32
    %dma_wait3A_209 = tpu.memref_slice %arg7[%dma_wait3A_208] : memref<38400xf32, #tpu.memory_space<vmem>> -> memref<12800xf32, #tpu.memory_space<vmem>>
    %dma_wait3A_210 = tpu.memref_slice %arg4[%add3A_122] : memref<9830400xf32, #tpu.memory_space<hbm>> -> memref<12800xf32, #tpu.memory_space<hbm>>
    %dma_wait3A_211 = tpu.memref_slice %arg4[%add3A_122] : memref<9830400xf32, #tpu.memory_space<hbm>> -> memref<12800xf32, #tpu.memory_space<hbm>>
    %dma_wait3A_212 = arith.constant 12800 : i32
    %dma_wait3A_213 = tpu.memref_slice %arg7[%dma_wait3A_212] : memref<38400xf32, #tpu.memory_space<vmem>> -> memref<12800xf32, #tpu.memory_space<vmem>>
    tpu.wait_dma2 semaphore(%arg12 : memref<!tpu.dma_semaphore, #tpu.memory_space<semaphore_mem>>) src(%dma_wait3A_213 : memref<12800xf32, #tpu.memory_space<vmem>>) dst(%dma_wait3A_211 : memref<12800xf32, #tpu.memory_space<hbm>>)
    %dma_wait3A_214 = arith.constant 25600 : i32
    %dma_wait3A_215 = tpu.memref_slice %arg7[%dma_wait3A_214] : memref<38400xf32, #tpu.memory_space<vmem>> -> memref<12800xf32, #tpu.memory_space<vmem>>
    %dma_wait3A_216 = tpu.memref_slice %arg4[%add3A_132] : memref<9830400xf32, #tpu.memory_space<hbm>> -> memref<12800xf32, #tpu.memory_space<hbm>>
    %dma_wait3A_217 = tpu.memref_slice %arg4[%add3A_132] : memref<9830400xf32, #tpu.memory_space<hbm>> -> memref<12800xf32, #tpu.memory_space<hbm>>
    %dma_wait3A_218 = arith.constant 25600 : i32
    %dma_wait3A_219 = tpu.memref_slice %arg7[%dma_wait3A_218] : memref<38400xf32, #tpu.memory_space<vmem>> -> memref<12800xf32, #tpu.memory_space<vmem>>
    tpu.wait_dma2 semaphore(%arg12 : memref<!tpu.dma_semaphore, #tpu.memory_space<semaphore_mem>>) src(%dma_wait3A_219 : memref<12800xf32, #tpu.memory_space<vmem>>) dst(%dma_wait3A_217 : memref<12800xf32, #tpu.memory_space<hbm>>)
    %parallel_loop3A_220 = arith.constant 0 : i32
    %parallel_loop3A_221 = arith.constant 800 : i32
    %parallel_loop3A_222 = arith.constant 1 : i32
    scf.for %parallel_loop3A_456 = %parallel_loop3A_220 to %parallel_loop3A_221 step %parallel_loop3A_222  : i32 {
      %parallel_loop3A_457 = arith.constant 16 : i32
      %parallel_loop3A_458 = arith.muli %parallel_loop3A_456, %parallel_loop3A_457 : i32
      %parallel_loop3A_459 = arith.index_cast %parallel_loop3A_458 : i32 to index
      %parallel_loop3A_460 = tpu.vector_load %arg5[%parallel_loop3A_459] {strides = array<i32>} : memref<12800xi32, #tpu.memory_space<vmem>>, vector<16xi32>,
      %parallel_loop3A_461 = arith.constant 3 : i32
      %parallel_loop3A_462 = vector.broadcast %parallel_loop3A_461 : i32 to vector<16xi32>
      %parallel_loop3A_463 = arith.muli %parallel_loop3A_460, %parallel_loop3A_462 : vector<16xi32>
      %parallel_loop3A_464 = arith.constant 0 : i32
      %parallel_loop3A_465 = vector.broadcast %parallel_loop3A_464 : i32 to vector<16xi32>
      %parallel_loop3A_466 = arith.addi %parallel_loop3A_463, %parallel_loop3A_465 : vector<16xi32>
      %parallel_loop3A_467 = tpu.vector_load_idx %arg9[%parallel_loop3A_466] : memref<30xf32, #tpu.memory_space<vmem>>[vector<16xi32>], vector<16xf32>,
      %parallel_loop3A_468 = arith.constant 16 : i32
      %parallel_loop3A_469 = arith.muli %parallel_loop3A_456, %parallel_loop3A_468 : i32
      %parallel_loop3A_470 = arith.constant 0 : i32
      %parallel_loop3A_471 = arith.addi %parallel_loop3A_470, %parallel_loop3A_469 : i32
      %parallel_loop3A_472 = arith.index_cast %parallel_loop3A_471 : i32 to index
      %parallel_loop3A_473 = tpu.vector_load %arg7[%parallel_loop3A_472] {strides = array<i32>} : memref<38400xf32, #tpu.memory_space<vmem>>, vector<16xf32>,
      tpu.vector_store %arg7[%parallel_loop3A_472], %parallel_loop3A_467 {strides = array<i32>} : memref<38400xf32, #tpu.memory_space<vmem>>, vector<16xf32>,
      %parallel_loop3A_474 = arith.constant 1 : i32
      %parallel_loop3A_475 = vector.broadcast %parallel_loop3A_474 : i32 to vector<16xi32>
      %parallel_loop3A_476 = arith.addi %parallel_loop3A_463, %parallel_loop3A_475 : vector<16xi32>
      %parallel_loop3A_477 = tpu.vector_load_idx %arg9[%parallel_loop3A_476] : memref<30xf32, #tpu.memory_space<vmem>>[vector<16xi32>], vector<16xf32>,
      %parallel_loop3A_478 = arith.constant 16 : i32
      %parallel_loop3A_479 = arith.muli %parallel_loop3A_456, %parallel_loop3A_478 : i32
      %parallel_loop3A_480 = arith.constant 12800 : i32
      %parallel_loop3A_481 = arith.addi %parallel_loop3A_480, %parallel_loop3A_479 : i32
      %parallel_loop3A_482 = arith.index_cast %parallel_loop3A_481 : i32 to index
      %parallel_loop3A_483 = tpu.vector_load %arg7[%parallel_loop3A_482] {strides = array<i32>} : memref<38400xf32, #tpu.memory_space<vmem>>, vector<16xf32>,
      tpu.vector_store %arg7[%parallel_loop3A_482], %parallel_loop3A_477 {strides = array<i32>} : memref<38400xf32, #tpu.memory_space<vmem>>, vector<16xf32>,
      %parallel_loop3A_484 = arith.constant 2 : i32
      %parallel_loop3A_485 = vector.broadcast %parallel_loop3A_484 : i32 to vector<16xi32>
      %parallel_loop3A_486 = arith.addi %parallel_loop3A_463, %parallel_loop3A_485 : vector<16xi32>
      %parallel_loop3A_487 = tpu.vector_load_idx %arg9[%parallel_loop3A_486] : memref<30xf32, #tpu.memory_space<vmem>>[vector<16xi32>], vector<16xf32>,
      %parallel_loop3A_488 = arith.constant 16 : i32
      %parallel_loop3A_489 = arith.muli %parallel_loop3A_456, %parallel_loop3A_488 : i32
      %parallel_loop3A_490 = arith.constant 25600 : i32
      %parallel_loop3A_491 = arith.addi %parallel_loop3A_490, %parallel_loop3A_489 : i32
      %parallel_loop3A_492 = arith.index_cast %parallel_loop3A_491 : i32 to index
      %parallel_loop3A_493 = tpu.vector_load %arg7[%parallel_loop3A_492] {strides = array<i32>} : memref<38400xf32, #tpu.memory_space<vmem>>, vector<16xf32>,
      tpu.vector_store %arg7[%parallel_loop3A_492], %parallel_loop3A_487 {strides = array<i32>} : memref<38400xf32, #tpu.memory_space<vmem>>, vector<16xf32>,
    } {sc.loop_unroll_factor = 8 : i64, sc.parallel_access}
    %add3A_223 = arith.constant 0 : i32
    %add3A_224 = arith.addi %add3A_223, %mul3A_2 : i32
    %add3A_225 = arith.constant 51200 : i32
    %add3A_226 = arith.addi %add3A_224, %add3A_225 : i32
    %dma_start3A_227 = arith.constant 0 : i32
    %dma_start3A_228 = tpu.memref_slice %arg7[%dma_start3A_227] : memref<38400xf32, #tpu.memory_space<vmem>> -> memref<12800xf32, #tpu.memory_space<vmem>>
    %dma_start3A_229 = tpu.memref_slice %arg4[%add3A_226] : memref<9830400xf32, #tpu.memory_space<hbm>> -> memref<12800xf32, #tpu.memory_space<hbm>>
    %dma_start3A_230 = tpu.memref_slice %arg4[%add3A_226] : memref<9830400xf32, #tpu.memory_space<hbm>> -> memref<12800xf32, #tpu.memory_space<hbm>>
    %dma_start3A_231 = arith.constant 0 : i32
    %dma_start3A_232 = tpu.memref_slice %arg7[%dma_start3A_231] : memref<38400xf32, #tpu.memory_space<vmem>> -> memref<12800xf32, #tpu.memory_space<vmem>>
    tpu.enqueue_dma source(%dma_start3A_232 : memref<12800xf32, #tpu.memory_space<vmem>>) target(%dma_start3A_230 : memref<12800xf32, #tpu.memory_space<hbm>>) target_semaphore(%arg12 : memref<!tpu.dma_semaphore, #tpu.memory_space<semaphore_mem>>)
    %add3A_233 = arith.constant 3276800 : i32
    %add3A_234 = arith.addi %add3A_233, %mul3A_2 : i32
    %add3A_235 = arith.constant 51200 : i32
    %add3A_236 = arith.addi %add3A_234, %add3A_235 : i32
    %dma_start3A_237 = arith.constant 12800 : i32
    %dma_start3A_238 = tpu.memref_slice %arg7[%dma_start3A_237] : memref<38400xf32, #tpu.memory_space<vmem>> -> memref<12800xf32, #tpu.memory_space<vmem>>
    %dma_start3A_239 = tpu.memref_slice %arg4[%add3A_236] : memref<9830400xf32, #tpu.memory_space<hbm>> -> memref<12800xf32, #tpu.memory_space<hbm>>
    %dma_start3A_240 = tpu.memref_slice %arg4[%add3A_236] : memref<9830400xf32, #tpu.memory_space<hbm>> -> memref<12800xf32, #tpu.memory_space<hbm>>
    %dma_start3A_241 = arith.constant 12800 : i32
    %dma_start3A_242 = tpu.memref_slice %arg7[%dma_start3A_241] : memref<38400xf32, #tpu.memory_space<vmem>> -> memref<12800xf32, #tpu.memory_space<vmem>>
    tpu.enqueue_dma source(%dma_start3A_242 : memref<12800xf32, #tpu.memory_space<vmem>>) target(%dma_start3A_240 : memref<12800xf32, #tpu.memory_space<hbm>>) target_semaphore(%arg12 : memref<!tpu.dma_semaphore, #tpu.memory_space<semaphore_mem>>)
    %add3A_243 = arith.constant 6553600 : i32
    %add3A_244 = arith.addi %add3A_243, %mul3A_2 : i32
    %add3A_245 = arith.constant 51200 : i32
    %add3A_246 = arith.addi %add3A_244, %add3A_245 : i32
    %dma_start3A_247 = arith.constant 25600 : i32
    %dma_start3A_248 = tpu.memref_slice %arg7[%dma_start3A_247] : memref<38400xf32, #tpu.memory_space<vmem>> -> memref<12800xf32, #tpu.memory_space<vmem>>
    %dma_start3A_249 = tpu.memref_slice %arg4[%add3A_246] : memref<9830400xf32, #tpu.memory_space<hbm>> -> memref<12800xf32, #tpu.memory_space<hbm>>
    %dma_start3A_250 = tpu.memref_slice %arg4[%add3A_246] : memref<9830400xf32, #tpu.memory_space<hbm>> -> memref<12800xf32, #tpu.memory_space<hbm>>
    %dma_start3A_251 = arith.constant 25600 : i32
    %dma_start3A_252 = tpu.memref_slice %arg7[%dma_start3A_251] : memref<38400xf32, #tpu.memory_space<vmem>> -> memref<12800xf32, #tpu.memory_space<vmem>>
    tpu.enqueue_dma source(%dma_start3A_252 : memref<12800xf32, #tpu.memory_space<vmem>>) target(%dma_start3A_250 : memref<12800xf32, #tpu.memory_space<hbm>>) target_semaphore(%arg12 : memref<!tpu.dma_semaphore, #tpu.memory_space<semaphore_mem>>)
    %add3A_253 = arith.constant 76800 : i32
    %add3A_254 = arith.addi %mul3A_2, %add3A_253 : i32
    %dma_start3A_255 = tpu.memref_slice %arg2[%add3A_254] : memref<3276800xi32, #tpu.memory_space<hbm>> -> memref<12800xi32, #tpu.memory_space<hbm>>
    %dma_start3A_256 = tpu.memref_slice %arg2[%add3A_254] : memref<3276800xi32, #tpu.memory_space<hbm>> -> memref<12800xi32, #tpu.memory_space<hbm>>
    tpu.enqueue_dma source(%dma_start3A_256 : memref<12800xi32, #tpu.memory_space<hbm>>) target(%arg5 : memref<12800xi32, #tpu.memory_space<vmem>>) target_semaphore(%arg10 : memref<!tpu.dma_semaphore, #tpu.memory_space<semaphore_mem>>)
    %dma_wait3A_257 = tpu.memref_slice %arg2[%add3A_197] : memref<3276800xi32, #tpu.memory_space<hbm>> -> memref<12800xi32, #tpu.memory_space<hbm>>
    %dma_wait3A_258 = tpu.memref_slice %arg2[%add3A_197] : memref<3276800xi32, #tpu.memory_space<hbm>> -> memref<12800xi32, #tpu.memory_space<hbm>>
    tpu.wait_dma2 semaphore(%arg11 : memref<!tpu.dma_semaphore, #tpu.memory_space<semaphore_mem>>) src(%dma_wait3A_258 : memref<12800xi32, #tpu.memory_space<hbm>>) dst(%arg6 : memref<12800xi32, #tpu.memory_space<vmem>>)
    %dma_wait3A_259 = arith.constant 0 : i32
    %dma_wait3A_260 = tpu.memref_slice %arg8[%dma_wait3A_259] : memref<38400xf32, #tpu.memory_space<vmem>> -> memref<12800xf32, #tpu.memory_space<vmem>>
    %dma_wait3A_261 = tpu.memref_slice %arg4[%add3A_169] : memref<9830400xf32, #tpu.memory_space<hbm>> -> memref<12800xf32, #tpu.memory_space<hbm>>
    %dma_wait3A_262 = tpu.memref_slice %arg4[%add3A_169] : memref<9830400xf32, #tpu.memory_space<hbm>> -> memref<12800xf32, #tpu.memory_space<hbm>>
    %dma_wait3A_263 = arith.constant 0 : i32
    %dma_wait3A_264 = tpu.memref_slice %arg8[%dma_wait3A_263] : memref<38400xf32, #tpu.memory_space<vmem>> -> memref<12800xf32, #tpu.memory_space<vmem>>
    tpu.wait_dma2 semaphore(%arg13 : memref<!tpu.dma_semaphore, #tpu.memory_space<semaphore_mem>>) src(%dma_wait3A_264 : memref<12800xf32, #tpu.memory_space<vmem>>) dst(%dma_wait3A_262 : memref<12800xf32, #tpu.memory_space<hbm>>)
    %dma_wait3A_265 = arith.constant 12800 : i32
    %dma_wait3A_266 = tpu.memref_slice %arg8[%dma_wait3A_265] : memref<38400xf32, #tpu.memory_space<vmem>> -> memref<12800xf32, #tpu.memory_space<vmem>>
    %dma_wait3A_267 = tpu.memref_slice %arg4[%add3A_179] : memref<9830400xf32, #tpu.memory_space<hbm>> -> memref<12800xf32, #tpu.memory_space<hbm>>
    %dma_wait3A_268 = tpu.memref_slice %arg4[%add3A_179] : memref<9830400xf32, #tpu.memory_space<hbm>> -> memref<12800xf32, #tpu.memory_space<hbm>>
    %dma_wait3A_269 = arith.constant 12800 : i32
    %dma_wait3A_270 = tpu.memref_slice %arg8[%dma_wait3A_269] : memref<38400xf32, #tpu.memory_space<vmem>> -> memref<12800xf32, #tpu.memory_space<vmem>>
    tpu.wait_dma2 semaphore(%arg13 : memref<!tpu.dma_semaphore, #tpu.memory_space<semaphore_mem>>) src(%dma_wait3A_270 : memref<12800xf32, #tpu.memory_space<vmem>>) dst(%dma_wait3A_268 : memref<12800xf32, #tpu.memory_space<hbm>>)
    %dma_wait3A_271 = arith.constant 25600 : i32
    %dma_wait3A_272 = tpu.memref_slice %arg8[%dma_wait3A_271] : memref<38400xf32, #tpu.memory_space<vmem>> -> memref<12800xf32, #tpu.memory_space<vmem>>
    %dma_wait3A_273 = tpu.memref_slice %arg4[%add3A_189] : memref<9830400xf32, #tpu.memory_space<hbm>> -> memref<12800xf32, #tpu.memory_space<hbm>>
    %dma_wait3A_274 = tpu.memref_slice %arg4[%add3A_189] : memref<9830400xf32, #tpu.memory_space<hbm>> -> memref<12800xf32, #tpu.memory_space<hbm>>
    %dma_wait3A_275 = arith.constant 25600 : i32
    %dma_wait3A_276 = tpu.memref_slice %arg8[%dma_wait3A_275] : memref<38400xf32, #tpu.memory_space<vmem>> -> memref<12800xf32, #tpu.memory_space<vmem>>
    tpu.wait_dma2 semaphore(%arg13 : memref<!tpu.dma_semaphore, #tpu.memory_space<semaphore_mem>>) src(%dma_wait3A_276 : memref<12800xf32, #tpu.memory_space<vmem>>) dst(%dma_wait3A_274 : memref<12800xf32, #tpu.memory_space<hbm>>)
    %parallel_loop3A_277 = arith.constant 0 : i32
    %parallel_loop3A_278 = arith.constant 800 : i32
    %parallel_loop3A_279 = arith.constant 1 : i32
    scf.for %parallel_loop3A_456 = %parallel_loop3A_277 to %parallel_loop3A_278 step %parallel_loop3A_279  : i32 {
      %parallel_loop3A_457 = arith.constant 16 : i32
      %parallel_loop3A_458 = arith.muli %parallel_loop3A_456, %parallel_loop3A_457 : i32
      %parallel_loop3A_459 = arith.index_cast %parallel_loop3A_458 : i32 to index
      %parallel_loop3A_460 = tpu.vector_load %arg6[%parallel_loop3A_459] {strides = array<i32>} : memref<12800xi32, #tpu.memory_space<vmem>>, vector<16xi32>,
      %parallel_loop3A_461 = arith.constant 3 : i32
      %parallel_loop3A_462 = vector.broadcast %parallel_loop3A_461 : i32 to vector<16xi32>
      %parallel_loop3A_463 = arith.muli %parallel_loop3A_460, %parallel_loop3A_462 : vector<16xi32>
      %parallel_loop3A_464 = arith.constant 0 : i32
      %parallel_loop3A_465 = vector.broadcast %parallel_loop3A_464 : i32 to vector<16xi32>
      %parallel_loop3A_466 = arith.addi %parallel_loop3A_463, %parallel_loop3A_465 : vector<16xi32>
      %parallel_loop3A_467 = tpu.vector_load_idx %arg9[%parallel_loop3A_466] : memref<30xf32, #tpu.memory_space<vmem>>[vector<16xi32>], vector<16xf32>,
      %parallel_loop3A_468 = arith.constant 16 : i32
      %parallel_loop3A_469 = arith.muli %parallel_loop3A_456, %parallel_loop3A_468 : i32
      %parallel_loop3A_470 = arith.constant 0 : i32
      %parallel_loop3A_471 = arith.addi %parallel_loop3A_470, %parallel_loop3A_469 : i32
      %parallel_loop3A_472 = arith.index_cast %parallel_loop3A_471 : i32 to index
      %parallel_loop3A_473 = tpu.vector_load %arg8[%parallel_loop3A_472] {strides = array<i32>} : memref<38400xf32, #tpu.memory_space<vmem>>, vector<16xf32>,
      tpu.vector_store %arg8[%parallel_loop3A_472], %parallel_loop3A_467 {strides = array<i32>} : memref<38400xf32, #tpu.memory_space<vmem>>, vector<16xf32>,
      %parallel_loop3A_474 = arith.constant 1 : i32
      %parallel_loop3A_475 = vector.broadcast %parallel_loop3A_474 : i32 to vector<16xi32>
      %parallel_loop3A_476 = arith.addi %parallel_loop3A_463, %parallel_loop3A_475 : vector<16xi32>
      %parallel_loop3A_477 = tpu.vector_load_idx %arg9[%parallel_loop3A_476] : memref<30xf32, #tpu.memory_space<vmem>>[vector<16xi32>], vector<16xf32>,
      %parallel_loop3A_478 = arith.constant 16 : i32
      %parallel_loop3A_479 = arith.muli %parallel_loop3A_456, %parallel_loop3A_478 : i32
      %parallel_loop3A_480 = arith.constant 12800 : i32
      %parallel_loop3A_481 = arith.addi %parallel_loop3A_480, %parallel_loop3A_479 : i32
      %parallel_loop3A_482 = arith.index_cast %parallel_loop3A_481 : i32 to index
      %parallel_loop3A_483 = tpu.vector_load %arg8[%parallel_loop3A_482] {strides = array<i32>} : memref<38400xf32, #tpu.memory_space<vmem>>, vector<16xf32>,
      tpu.vector_store %arg8[%parallel_loop3A_482], %parallel_loop3A_477 {strides = array<i32>} : memref<38400xf32, #tpu.memory_space<vmem>>, vector<16xf32>,
      %parallel_loop3A_484 = arith.constant 2 : i32
      %parallel_loop3A_485 = vector.broadcast %parallel_loop3A_484 : i32 to vector<16xi32>
      %parallel_loop3A_486 = arith.addi %parallel_loop3A_463, %parallel_loop3A_485 : vector<16xi32>
      %parallel_loop3A_487 = tpu.vector_load_idx %arg9[%parallel_loop3A_486] : memref<30xf32, #tpu.memory_space<vmem>>[vector<16xi32>], vector<16xf32>,
      %parallel_loop3A_488 = arith.constant 16 : i32
      %parallel_loop3A_489 = arith.muli %parallel_loop3A_456, %parallel_loop3A_488 : i32
      %parallel_loop3A_490 = arith.constant 25600 : i32
      %parallel_loop3A_491 = arith.addi %parallel_loop3A_490, %parallel_loop3A_489 : i32
      %parallel_loop3A_492 = arith.index_cast %parallel_loop3A_491 : i32 to index
      %parallel_loop3A_493 = tpu.vector_load %arg8[%parallel_loop3A_492] {strides = array<i32>} : memref<38400xf32, #tpu.memory_space<vmem>>, vector<16xf32>,
      tpu.vector_store %arg8[%parallel_loop3A_492], %parallel_loop3A_487 {strides = array<i32>} : memref<38400xf32, #tpu.memory_space<vmem>>, vector<16xf32>,
    } {sc.loop_unroll_factor = 8 : i64, sc.parallel_access}
    %add3A_280 = arith.constant 0 : i32
    %add3A_281 = arith.addi %add3A_280, %mul3A_2 : i32
    %add3A_282 = arith.constant 64000 : i32
    %add3A_283 = arith.addi %add3A_281, %add3A_282 : i32
    %dma_start3A_284 = arith.constant 0 : i32
    %dma_start3A_285 = tpu.memref_slice %arg8[%dma_start3A_284] : memref<38400xf32, #tpu.memory_space<vmem>> -> memref<12800xf32, #tpu.memory_space<vmem>>
    %dma_start3A_286 = tpu.memref_slice %arg4[%add3A_283] : memref<9830400xf32, #tpu.memory_space<hbm>> -> memref<12800xf32, #tpu.memory_space<hbm>>
    %dma_start3A_287 = tpu.memref_slice %arg4[%add3A_283] : memref<9830400xf32, #tpu.memory_space<hbm>> -> memref<12800xf32, #tpu.memory_space<hbm>>
    %dma_start3A_288 = arith.constant 0 : i32
    %dma_start3A_289 = tpu.memref_slice %arg8[%dma_start3A_288] : memref<38400xf32, #tpu.memory_space<vmem>> -> memref<12800xf32, #tpu.memory_space<vmem>>
    tpu.enqueue_dma source(%dma_start3A_289 : memref<12800xf32, #tpu.memory_space<vmem>>) target(%dma_start3A_287 : memref<12800xf32, #tpu.memory_space<hbm>>) target_semaphore(%arg13 : memref<!tpu.dma_semaphore, #tpu.memory_space<semaphore_mem>>)
    %add3A_290 = arith.constant 3276800 : i32
    %add3A_291 = arith.addi %add3A_290, %mul3A_2 : i32
    %add3A_292 = arith.constant 64000 : i32
    %add3A_293 = arith.addi %add3A_291, %add3A_292 : i32
    %dma_start3A_294 = arith.constant 12800 : i32
    %dma_start3A_295 = tpu.memref_slice %arg8[%dma_start3A_294] : memref<38400xf32, #tpu.memory_space<vmem>> -> memref<12800xf32, #tpu.memory_space<vmem>>
    %dma_start3A_296 = tpu.memref_slice %arg4[%add3A_293] : memref<9830400xf32, #tpu.memory_space<hbm>> -> memref<12800xf32, #tpu.memory_space<hbm>>
    %dma_start3A_297 = tpu.memref_slice %arg4[%add3A_293] : memref<9830400xf32, #tpu.memory_space<hbm>> -> memref<12800xf32, #tpu.memory_space<hbm>>
    %dma_start3A_298 = arith.constant 12800 : i32
    %dma_start3A_299 = tpu.memref_slice %arg8[%dma_start3A_298] : memref<38400xf32, #tpu.memory_space<vmem>> -> memref<12800xf32, #tpu.memory_space<vmem>>
    tpu.enqueue_dma source(%dma_start3A_299 : memref<12800xf32, #tpu.memory_space<vmem>>) target(%dma_start3A_297 : memref<12800xf32, #tpu.memory_space<hbm>>) target_semaphore(%arg13 : memref<!tpu.dma_semaphore, #tpu.memory_space<semaphore_mem>>)
    %add3A_300 = arith.constant 6553600 : i32
    %add3A_301 = arith.addi %add3A_300, %mul3A_2 : i32
    %add3A_302 = arith.constant 64000 : i32
    %add3A_303 = arith.addi %add3A_301, %add3A_302 : i32
    %dma_start3A_304 = arith.constant 25600 : i32
    %dma_start3A_305 = tpu.memref_slice %arg8[%dma_start3A_304] : memref<38400xf32, #tpu.memory_space<vmem>> -> memref<12800xf32, #tpu.memory_space<vmem>>
    %dma_start3A_306 = tpu.memref_slice %arg4[%add3A_303] : memref<9830400xf32, #tpu.memory_space<hbm>> -> memref<12800xf32, #tpu.memory_space<hbm>>
    %dma_start3A_307 = tpu.memref_slice %arg4[%add3A_303] : memref<9830400xf32, #tpu.memory_space<hbm>> -> memref<12800xf32, #tpu.memory_space<hbm>>
    %dma_start3A_308 = arith.constant 25600 : i32
    %dma_start3A_309 = tpu.memref_slice %arg8[%dma_start3A_308] : memref<38400xf32, #tpu.memory_space<vmem>> -> memref<12800xf32, #tpu.memory_space<vmem>>
    tpu.enqueue_dma source(%dma_start3A_309 : memref<12800xf32, #tpu.memory_space<vmem>>) target(%dma_start3A_307 : memref<12800xf32, #tpu.memory_space<hbm>>) target_semaphore(%arg13 : memref<!tpu.dma_semaphore, #tpu.memory_space<semaphore_mem>>)
    %add3A_310 = arith.constant 89600 : i32
    %add3A_311 = arith.addi %mul3A_2, %add3A_310 : i32
    %dma_start3A_312 = tpu.memref_slice %arg2[%add3A_311] : memref<3276800xi32, #tpu.memory_space<hbm>> -> memref<12800xi32, #tpu.memory_space<hbm>>
    %dma_start3A_313 = tpu.memref_slice %arg2[%add3A_311] : memref<3276800xi32, #tpu.memory_space<hbm>> -> memref<12800xi32, #tpu.memory_space<hbm>>
    tpu.enqueue_dma source(%dma_start3A_313 : memref<12800xi32, #tpu.memory_space<hbm>>) target(%arg6 : memref<12800xi32, #tpu.memory_space<vmem>>) target_semaphore(%arg11 : memref<!tpu.dma_semaphore, #tpu.memory_space<semaphore_mem>>)
    %dma_wait3A_314 = tpu.memref_slice %arg2[%add3A_254] : memref<3276800xi32, #tpu.memory_space<hbm>> -> memref<12800xi32, #tpu.memory_space<hbm>>
    %dma_wait3A_315 = tpu.memref_slice %arg2[%add3A_254] : memref<3276800xi32, #tpu.memory_space<hbm>> -> memref<12800xi32, #tpu.memory_space<hbm>>
    tpu.wait_dma2 semaphore(%arg10 : memref<!tpu.dma_semaphore, #tpu.memory_space<semaphore_mem>>) src(%dma_wait3A_315 : memref<12800xi32, #tpu.memory_space<hbm>>) dst(%arg5 : memref<12800xi32, #tpu.memory_space<vmem>>)
    %dma_wait3A_316 = arith.constant 0 : i32
    %dma_wait3A_317 = tpu.memref_slice %arg7[%dma_wait3A_316] : memref<38400xf32, #tpu.memory_space<vmem>> -> memref<12800xf32, #tpu.memory_space<vmem>>
    %dma_wait3A_318 = tpu.memref_slice %arg4[%add3A_226] : memref<9830400xf32, #tpu.memory_space<hbm>> -> memref<12800xf32, #tpu.memory_space<hbm>>
    %dma_wait3A_319 = tpu.memref_slice %arg4[%add3A_226] : memref<9830400xf32, #tpu.memory_space<hbm>> -> memref<12800xf32, #tpu.memory_space<hbm>>
    %dma_wait3A_320 = arith.constant 0 : i32
    %dma_wait3A_321 = tpu.memref_slice %arg7[%dma_wait3A_320] : memref<38400xf32, #tpu.memory_space<vmem>> -> memref<12800xf32, #tpu.memory_space<vmem>>
    tpu.wait_dma2 semaphore(%arg12 : memref<!tpu.dma_semaphore, #tpu.memory_space<semaphore_mem>>) src(%dma_wait3A_321 : memref<12800xf32, #tpu.memory_space<vmem>>) dst(%dma_wait3A_319 : memref<12800xf32, #tpu.memory_space<hbm>>)
    %dma_wait3A_322 = arith.constant 12800 : i32
    %dma_wait3A_323 = tpu.memref_slice %arg7[%dma_wait3A_322] : memref<38400xf32, #tpu.memory_space<vmem>> -> memref<12800xf32, #tpu.memory_space<vmem>>
    %dma_wait3A_324 = tpu.memref_slice %arg4[%add3A_236] : memref<9830400xf32, #tpu.memory_space<hbm>> -> memref<12800xf32, #tpu.memory_space<hbm>>
    %dma_wait3A_325 = tpu.memref_slice %arg4[%add3A_236] : memref<9830400xf32, #tpu.memory_space<hbm>> -> memref<12800xf32, #tpu.memory_space<hbm>>
    %dma_wait3A_326 = arith.constant 12800 : i32
    %dma_wait3A_327 = tpu.memref_slice %arg7[%dma_wait3A_326] : memref<38400xf32, #tpu.memory_space<vmem>> -> memref<12800xf32, #tpu.memory_space<vmem>>
    tpu.wait_dma2 semaphore(%arg12 : memref<!tpu.dma_semaphore, #tpu.memory_space<semaphore_mem>>) src(%dma_wait3A_327 : memref<12800xf32, #tpu.memory_space<vmem>>) dst(%dma_wait3A_325 : memref<12800xf32, #tpu.memory_space<hbm>>)
    %dma_wait3A_328 = arith.constant 25600 : i32
    %dma_wait3A_329 = tpu.memref_slice %arg7[%dma_wait3A_328] : memref<38400xf32, #tpu.memory_space<vmem>> -> memref<12800xf32, #tpu.memory_space<vmem>>
    %dma_wait3A_330 = tpu.memref_slice %arg4[%add3A_246] : memref<9830400xf32, #tpu.memory_space<hbm>> -> memref<12800xf32, #tpu.memory_space<hbm>>
    %dma_wait3A_331 = tpu.memref_slice %arg4[%add3A_246] : memref<9830400xf32, #tpu.memory_space<hbm>> -> memref<12800xf32, #tpu.memory_space<hbm>>
    %dma_wait3A_332 = arith.constant 25600 : i32
    %dma_wait3A_333 = tpu.memref_slice %arg7[%dma_wait3A_332] : memref<38400xf32, #tpu.memory_space<vmem>> -> memref<12800xf32, #tpu.memory_space<vmem>>
    tpu.wait_dma2 semaphore(%arg12 : memref<!tpu.dma_semaphore, #tpu.memory_space<semaphore_mem>>) src(%dma_wait3A_333 : memref<12800xf32, #tpu.memory_space<vmem>>) dst(%dma_wait3A_331 : memref<12800xf32, #tpu.memory_space<hbm>>)
    %parallel_loop3A_334 = arith.constant 0 : i32
    %parallel_loop3A_335 = arith.constant 800 : i32
    %parallel_loop3A_336 = arith.constant 1 : i32
    scf.for %parallel_loop3A_456 = %parallel_loop3A_334 to %parallel_loop3A_335 step %parallel_loop3A_336  : i32 {
      %parallel_loop3A_457 = arith.constant 16 : i32
      %parallel_loop3A_458 = arith.muli %parallel_loop3A_456, %parallel_loop3A_457 : i32
      %parallel_loop3A_459 = arith.index_cast %parallel_loop3A_458 : i32 to index
      %parallel_loop3A_460 = tpu.vector_load %arg5[%parallel_loop3A_459] {strides = array<i32>} : memref<12800xi32, #tpu.memory_space<vmem>>, vector<16xi32>,
      %parallel_loop3A_461 = arith.constant 3 : i32
      %parallel_loop3A_462 = vector.broadcast %parallel_loop3A_461 : i32 to vector<16xi32>
      %parallel_loop3A_463 = arith.muli %parallel_loop3A_460, %parallel_loop3A_462 : vector<16xi32>
      %parallel_loop3A_464 = arith.constant 0 : i32
      %parallel_loop3A_465 = vector.broadcast %parallel_loop3A_464 : i32 to vector<16xi32>
      %parallel_loop3A_466 = arith.addi %parallel_loop3A_463, %parallel_loop3A_465 : vector<16xi32>
      %parallel_loop3A_467 = tpu.vector_load_idx %arg9[%parallel_loop3A_466] : memref<30xf32, #tpu.memory_space<vmem>>[vector<16xi32>], vector<16xf32>,
      %parallel_loop3A_468 = arith.constant 16 : i32
      %parallel_loop3A_469 = arith.muli %parallel_loop3A_456, %parallel_loop3A_468 : i32
      %parallel_loop3A_470 = arith.constant 0 : i32
      %parallel_loop3A_471 = arith.addi %parallel_loop3A_470, %parallel_loop3A_469 : i32
      %parallel_loop3A_472 = arith.index_cast %parallel_loop3A_471 : i32 to index
      %parallel_loop3A_473 = tpu.vector_load %arg7[%parallel_loop3A_472] {strides = array<i32>} : memref<38400xf32, #tpu.memory_space<vmem>>, vector<16xf32>,
      tpu.vector_store %arg7[%parallel_loop3A_472], %parallel_loop3A_467 {strides = array<i32>} : memref<38400xf32, #tpu.memory_space<vmem>>, vector<16xf32>,
      %parallel_loop3A_474 = arith.constant 1 : i32
      %parallel_loop3A_475 = vector.broadcast %parallel_loop3A_474 : i32 to vector<16xi32>
      %parallel_loop3A_476 = arith.addi %parallel_loop3A_463, %parallel_loop3A_475 : vector<16xi32>
      %parallel_loop3A_477 = tpu.vector_load_idx %arg9[%parallel_loop3A_476] : memref<30xf32, #tpu.memory_space<vmem>>[vector<16xi32>], vector<16xf32>,
      %parallel_loop3A_478 = arith.constant 16 : i32
      %parallel_loop3A_479 = arith.muli %parallel_loop3A_456, %parallel_loop3A_478 : i32
      %parallel_loop3A_480 = arith.constant 12800 : i32
      %parallel_loop3A_481 = arith.addi %parallel_loop3A_480, %parallel_loop3A_479 : i32
      %parallel_loop3A_482 = arith.index_cast %parallel_loop3A_481 : i32 to index
      %parallel_loop3A_483 = tpu.vector_load %arg7[%parallel_loop3A_482] {strides = array<i32>} : memref<38400xf32, #tpu.memory_space<vmem>>, vector<16xf32>,
      tpu.vector_store %arg7[%parallel_loop3A_482], %parallel_loop3A_477 {strides = array<i32>} : memref<38400xf32, #tpu.memory_space<vmem>>, vector<16xf32>,
      %parallel_loop3A_484 = arith.constant 2 : i32
      %parallel_loop3A_485 = vector.broadcast %parallel_loop3A_484 : i32 to vector<16xi32>
      %parallel_loop3A_486 = arith.addi %parallel_loop3A_463, %parallel_loop3A_485 : vector<16xi32>
      %parallel_loop3A_487 = tpu.vector_load_idx %arg9[%parallel_loop3A_486] : memref<30xf32, #tpu.memory_space<vmem>>[vector<16xi32>], vector<16xf32>,
      %parallel_loop3A_488 = arith.constant 16 : i32
      %parallel_loop3A_489 = arith.muli %parallel_loop3A_456, %parallel_loop3A_488 : i32
      %parallel_loop3A_490 = arith.constant 25600 : i32
      %parallel_loop3A_491 = arith.addi %parallel_loop3A_490, %parallel_loop3A_489 : i32
      %parallel_loop3A_492 = arith.index_cast %parallel_loop3A_491 : i32 to index
      %parallel_loop3A_493 = tpu.vector_load %arg7[%parallel_loop3A_492] {strides = array<i32>} : memref<38400xf32, #tpu.memory_space<vmem>>, vector<16xf32>,
      tpu.vector_store %arg7[%parallel_loop3A_492], %parallel_loop3A_487 {strides = array<i32>} : memref<38400xf32, #tpu.memory_space<vmem>>, vector<16xf32>,
    } {sc.loop_unroll_factor = 8 : i64, sc.parallel_access}
    %add3A_337 = arith.constant 0 : i32
    %add3A_338 = arith.addi %add3A_337, %mul3A_2 : i32
    %add3A_339 = arith.constant 76800 : i32
    %add3A_340 = arith.addi %add3A_338, %add3A_339 : i32
    %dma_start3A_341 = arith.constant 0 : i32
    %dma_start3A_342 = tpu.memref_slice %arg7[%dma_start3A_341] : memref<38400xf32, #tpu.memory_space<vmem>> -> memref<12800xf32, #tpu.memory_space<vmem>>
    %dma_start3A_343 = tpu.memref_slice %arg4[%add3A_340] : memref<9830400xf32, #tpu.memory_space<hbm>> -> memref<12800xf32, #tpu.memory_space<hbm>>
    %dma_start3A_344 = tpu.memref_slice %arg4[%add3A_340] : memref<9830400xf32, #tpu.memory_space<hbm>> -> memref<12800xf32, #tpu.memory_space<hbm>>
    %dma_start3A_345 = arith.constant 0 : i32
    %dma_start3A_346 = tpu.memref_slice %arg7[%dma_start3A_345] : memref<38400xf32, #tpu.memory_space<vmem>> -> memref<12800xf32, #tpu.memory_space<vmem>>
    tpu.enqueue_dma source(%dma_start3A_346 : memref<12800xf32, #tpu.memory_space<vmem>>) target(%dma_start3A_344 : memref<12800xf32, #tpu.memory_space<hbm>>) target_semaphore(%arg12 : memref<!tpu.dma_semaphore, #tpu.memory_space<semaphore_mem>>)
    %add3A_347 = arith.constant 3276800 : i32
    %add3A_348 = arith.addi %add3A_347, %mul3A_2 : i32
    %add3A_349 = arith.constant 76800 : i32
    %add3A_350 = arith.addi %add3A_348, %add3A_349 : i32
    %dma_start3A_351 = arith.constant 12800 : i32
    %dma_start3A_352 = tpu.memref_slice %arg7[%dma_start3A_351] : memref<38400xf32, #tpu.memory_space<vmem>> -> memref<12800xf32, #tpu.memory_space<vmem>>
    %dma_start3A_353 = tpu.memref_slice %arg4[%add3A_350] : memref<9830400xf32, #tpu.memory_space<hbm>> -> memref<12800xf32, #tpu.memory_space<hbm>>
    %dma_start3A_354 = tpu.memref_slice %arg4[%add3A_350] : memref<9830400xf32, #tpu.memory_space<hbm>> -> memref<12800xf32, #tpu.memory_space<hbm>>
    %dma_start3A_355 = arith.constant 12800 : i32
    %dma_start3A_356 = tpu.memref_slice %arg7[%dma_start3A_355] : memref<38400xf32, #tpu.memory_space<vmem>> -> memref<12800xf32, #tpu.memory_space<vmem>>
    tpu.enqueue_dma source(%dma_start3A_356 : memref<12800xf32, #tpu.memory_space<vmem>>) target(%dma_start3A_354 : memref<12800xf32, #tpu.memory_space<hbm>>) target_semaphore(%arg12 : memref<!tpu.dma_semaphore, #tpu.memory_space<semaphore_mem>>)
    %add3A_357 = arith.constant 6553600 : i32
    %add3A_358 = arith.addi %add3A_357, %mul3A_2 : i32
    %add3A_359 = arith.constant 76800 : i32
    %add3A_360 = arith.addi %add3A_358, %add3A_359 : i32
    %dma_start3A_361 = arith.constant 25600 : i32
    %dma_start3A_362 = tpu.memref_slice %arg7[%dma_start3A_361] : memref<38400xf32, #tpu.memory_space<vmem>> -> memref<12800xf32, #tpu.memory_space<vmem>>
    %dma_start3A_363 = tpu.memref_slice %arg4[%add3A_360] : memref<9830400xf32, #tpu.memory_space<hbm>> -> memref<12800xf32, #tpu.memory_space<hbm>>
    %dma_start3A_364 = tpu.memref_slice %arg4[%add3A_360] : memref<9830400xf32, #tpu.memory_space<hbm>> -> memref<12800xf32, #tpu.memory_space<hbm>>
    %dma_start3A_365 = arith.constant 25600 : i32
    %dma_start3A_366 = tpu.memref_slice %arg7[%dma_start3A_365] : memref<38400xf32, #tpu.memory_space<vmem>> -> memref<12800xf32, #tpu.memory_space<vmem>>
    tpu.enqueue_dma source(%dma_start3A_366 : memref<12800xf32, #tpu.memory_space<vmem>>) target(%dma_start3A_364 : memref<12800xf32, #tpu.memory_space<hbm>>) target_semaphore(%arg12 : memref<!tpu.dma_semaphore, #tpu.memory_space<semaphore_mem>>)
    %dma_wait3A_367 = tpu.memref_slice %arg2[%add3A_311] : memref<3276800xi32, #tpu.memory_space<hbm>> -> memref<12800xi32, #tpu.memory_space<hbm>>
    %dma_wait3A_368 = tpu.memref_slice %arg2[%add3A_311] : memref<3276800xi32, #tpu.memory_space<hbm>> -> memref<12800xi32, #tpu.memory_space<hbm>>
    tpu.wait_dma2 semaphore(%arg11 : memref<!tpu.dma_semaphore, #tpu.memory_space<semaphore_mem>>) src(%dma_wait3A_368 : memref<12800xi32, #tpu.memory_space<hbm>>) dst(%arg6 : memref<12800xi32, #tpu.memory_space<vmem>>)
    %dma_wait3A_369 = arith.constant 0 : i32
    %dma_wait3A_370 = tpu.memref_slice %arg8[%dma_wait3A_369] : memref<38400xf32, #tpu.memory_space<vmem>> -> memref<12800xf32, #tpu.memory_space<vmem>>
    %dma_wait3A_371 = tpu.memref_slice %arg4[%add3A_283] : memref<9830400xf32, #tpu.memory_space<hbm>> -> memref<12800xf32, #tpu.memory_space<hbm>>
    %dma_wait3A_372 = tpu.memref_slice %arg4[%add3A_283] : memref<9830400xf32, #tpu.memory_space<hbm>> -> memref<12800xf32, #tpu.memory_space<hbm>>
    %dma_wait3A_373 = arith.constant 0 : i32
    %dma_wait3A_374 = tpu.memref_slice %arg8[%dma_wait3A_373] : memref<38400xf32, #tpu.memory_space<vmem>> -> memref<12800xf32, #tpu.memory_space<vmem>>
    tpu.wait_dma2 semaphore(%arg13 : memref<!tpu.dma_semaphore, #tpu.memory_space<semaphore_mem>>) src(%dma_wait3A_374 : memref<12800xf32, #tpu.memory_space<vmem>>) dst(%dma_wait3A_372 : memref<12800xf32, #tpu.memory_space<hbm>>)
    %dma_wait3A_375 = arith.constant 12800 : i32
    %dma_wait3A_376 = tpu.memref_slice %arg8[%dma_wait3A_375] : memref<38400xf32, #tpu.memory_space<vmem>> -> memref<12800xf32, #tpu.memory_space<vmem>>
    %dma_wait3A_377 = tpu.memref_slice %arg4[%add3A_293] : memref<9830400xf32, #tpu.memory_space<hbm>> -> memref<12800xf32, #tpu.memory_space<hbm>>
    %dma_wait3A_378 = tpu.memref_slice %arg4[%add3A_293] : memref<9830400xf32, #tpu.memory_space<hbm>> -> memref<12800xf32, #tpu.memory_space<hbm>>
    %dma_wait3A_379 = arith.constant 12800 : i32
    %dma_wait3A_380 = tpu.memref_slice %arg8[%dma_wait3A_379] : memref<38400xf32, #tpu.memory_space<vmem>> -> memref<12800xf32, #tpu.memory_space<vmem>>
    tpu.wait_dma2 semaphore(%arg13 : memref<!tpu.dma_semaphore, #tpu.memory_space<semaphore_mem>>) src(%dma_wait3A_380 : memref<12800xf32, #tpu.memory_space<vmem>>) dst(%dma_wait3A_378 : memref<12800xf32, #tpu.memory_space<hbm>>)
    %dma_wait3A_381 = arith.constant 25600 : i32
    %dma_wait3A_382 = tpu.memref_slice %arg8[%dma_wait3A_381] : memref<38400xf32, #tpu.memory_space<vmem>> -> memref<12800xf32, #tpu.memory_space<vmem>>
    %dma_wait3A_383 = tpu.memref_slice %arg4[%add3A_303] : memref<9830400xf32, #tpu.memory_space<hbm>> -> memref<12800xf32, #tpu.memory_space<hbm>>
    %dma_wait3A_384 = tpu.memref_slice %arg4[%add3A_303] : memref<9830400xf32, #tpu.memory_space<hbm>> -> memref<12800xf32, #tpu.memory_space<hbm>>
    %dma_wait3A_385 = arith.constant 25600 : i32
    %dma_wait3A_386 = tpu.memref_slice %arg8[%dma_wait3A_385] : memref<38400xf32, #tpu.memory_space<vmem>> -> memref<12800xf32, #tpu.memory_space<vmem>>
    tpu.wait_dma2 semaphore(%arg13 : memref<!tpu.dma_semaphore, #tpu.memory_space<semaphore_mem>>) src(%dma_wait3A_386 : memref<12800xf32, #tpu.memory_space<vmem>>) dst(%dma_wait3A_384 : memref<12800xf32, #tpu.memory_space<hbm>>)
    %parallel_loop3A_387 = arith.constant 0 : i32
    %parallel_loop3A_388 = arith.constant 800 : i32
    %parallel_loop3A_389 = arith.constant 1 : i32
    scf.for %parallel_loop3A_456 = %parallel_loop3A_387 to %parallel_loop3A_388 step %parallel_loop3A_389  : i32 {
      %parallel_loop3A_457 = arith.constant 16 : i32
      %parallel_loop3A_458 = arith.muli %parallel_loop3A_456, %parallel_loop3A_457 : i32
      %parallel_loop3A_459 = arith.index_cast %parallel_loop3A_458 : i32 to index
      %parallel_loop3A_460 = tpu.vector_load %arg6[%parallel_loop3A_459] {strides = array<i32>} : memref<12800xi32, #tpu.memory_space<vmem>>, vector<16xi32>,
      %parallel_loop3A_461 = arith.constant 3 : i32
      %parallel_loop3A_462 = vector.broadcast %parallel_loop3A_461 : i32 to vector<16xi32>
      %parallel_loop3A_463 = arith.muli %parallel_loop3A_460, %parallel_loop3A_462 : vector<16xi32>
      %parallel_loop3A_464 = arith.constant 0 : i32
      %parallel_loop3A_465 = vector.broadcast %parallel_loop3A_464 : i32 to vector<16xi32>
      %parallel_loop3A_466 = arith.addi %parallel_loop3A_463, %parallel_loop3A_465 : vector<16xi32>
      %parallel_loop3A_467 = tpu.vector_load_idx %arg9[%parallel_loop3A_466] : memref<30xf32, #tpu.memory_space<vmem>>[vector<16xi32>], vector<16xf32>,
      %parallel_loop3A_468 = arith.constant 16 : i32
      %parallel_loop3A_469 = arith.muli %parallel_loop3A_456, %parallel_loop3A_468 : i32
      %parallel_loop3A_470 = arith.constant 0 : i32
      %parallel_loop3A_471 = arith.addi %parallel_loop3A_470, %parallel_loop3A_469 : i32
      %parallel_loop3A_472 = arith.index_cast %parallel_loop3A_471 : i32 to index
      %parallel_loop3A_473 = tpu.vector_load %arg8[%parallel_loop3A_472] {strides = array<i32>} : memref<38400xf32, #tpu.memory_space<vmem>>, vector<16xf32>,
      tpu.vector_store %arg8[%parallel_loop3A_472], %parallel_loop3A_467 {strides = array<i32>} : memref<38400xf32, #tpu.memory_space<vmem>>, vector<16xf32>,
      %parallel_loop3A_474 = arith.constant 1 : i32
      %parallel_loop3A_475 = vector.broadcast %parallel_loop3A_474 : i32 to vector<16xi32>
      %parallel_loop3A_476 = arith.addi %parallel_loop3A_463, %parallel_loop3A_475 : vector<16xi32>
      %parallel_loop3A_477 = tpu.vector_load_idx %arg9[%parallel_loop3A_476] : memref<30xf32, #tpu.memory_space<vmem>>[vector<16xi32>], vector<16xf32>,
      %parallel_loop3A_478 = arith.constant 16 : i32
      %parallel_loop3A_479 = arith.muli %parallel_loop3A_456, %parallel_loop3A_478 : i32
      %parallel_loop3A_480 = arith.constant 12800 : i32
      %parallel_loop3A_481 = arith.addi %parallel_loop3A_480, %parallel_loop3A_479 : i32
      %parallel_loop3A_482 = arith.index_cast %parallel_loop3A_481 : i32 to index
      %parallel_loop3A_483 = tpu.vector_load %arg8[%parallel_loop3A_482] {strides = array<i32>} : memref<38400xf32, #tpu.memory_space<vmem>>, vector<16xf32>,
      tpu.vector_store %arg8[%parallel_loop3A_482], %parallel_loop3A_477 {strides = array<i32>} : memref<38400xf32, #tpu.memory_space<vmem>>, vector<16xf32>,
      %parallel_loop3A_484 = arith.constant 2 : i32
      %parallel_loop3A_485 = vector.broadcast %parallel_loop3A_484 : i32 to vector<16xi32>
      %parallel_loop3A_486 = arith.addi %parallel_loop3A_463, %parallel_loop3A_485 : vector<16xi32>
      %parallel_loop3A_487 = tpu.vector_load_idx %arg9[%parallel_loop3A_486] : memref<30xf32, #tpu.memory_space<vmem>>[vector<16xi32>], vector<16xf32>,
      %parallel_loop3A_488 = arith.constant 16 : i32
      %parallel_loop3A_489 = arith.muli %parallel_loop3A_456, %parallel_loop3A_488 : i32
      %parallel_loop3A_490 = arith.constant 25600 : i32
      %parallel_loop3A_491 = arith.addi %parallel_loop3A_490, %parallel_loop3A_489 : i32
      %parallel_loop3A_492 = arith.index_cast %parallel_loop3A_491 : i32 to index
      %parallel_loop3A_493 = tpu.vector_load %arg8[%parallel_loop3A_492] {strides = array<i32>} : memref<38400xf32, #tpu.memory_space<vmem>>, vector<16xf32>,
      tpu.vector_store %arg8[%parallel_loop3A_492], %parallel_loop3A_487 {strides = array<i32>} : memref<38400xf32, #tpu.memory_space<vmem>>, vector<16xf32>,
    } {sc.loop_unroll_factor = 8 : i64, sc.parallel_access}
    %add3A_390 = arith.constant 0 : i32
    %add3A_391 = arith.addi %add3A_390, %mul3A_2 : i32
    %add3A_392 = arith.constant 89600 : i32
    %add3A_393 = arith.addi %add3A_391, %add3A_392 : i32
    %dma_start3A_394 = arith.constant 0 : i32
    %dma_start3A_395 = tpu.memref_slice %arg8[%dma_start3A_394] : memref<38400xf32, #tpu.memory_space<vmem>> -> memref<12800xf32, #tpu.memory_space<vmem>>
    %dma_start3A_396 = tpu.memref_slice %arg4[%add3A_393] : memref<9830400xf32, #tpu.memory_space<hbm>> -> memref<12800xf32, #tpu.memory_space<hbm>>
    %dma_start3A_397 = tpu.memref_slice %arg4[%add3A_393] : memref<9830400xf32, #tpu.memory_space<hbm>> -> memref<12800xf32, #tpu.memory_space<hbm>>
    %dma_start3A_398 = arith.constant 0 : i32
    %dma_start3A_399 = tpu.memref_slice %arg8[%dma_start3A_398] : memref<38400xf32, #tpu.memory_space<vmem>> -> memref<12800xf32, #tpu.memory_space<vmem>>
    tpu.enqueue_dma source(%dma_start3A_399 : memref<12800xf32, #tpu.memory_space<vmem>>) target(%dma_start3A_397 : memref<12800xf32, #tpu.memory_space<hbm>>) target_semaphore(%arg13 : memref<!tpu.dma_semaphore, #tpu.memory_space<semaphore_mem>>)
    %add3A_400 = arith.constant 3276800 : i32
    %add3A_401 = arith.addi %add3A_400, %mul3A_2 : i32
    %add3A_402 = arith.constant 89600 : i32
    %add3A_403 = arith.addi %add3A_401, %add3A_402 : i32
    %dma_start3A_404 = arith.constant 12800 : i32
    %dma_start3A_405 = tpu.memref_slice %arg8[%dma_start3A_404] : memref<38400xf32, #tpu.memory_space<vmem>> -> memref<12800xf32, #tpu.memory_space<vmem>>
    %dma_start3A_406 = tpu.memref_slice %arg4[%add3A_403] : memref<9830400xf32, #tpu.memory_space<hbm>> -> memref<12800xf32, #tpu.memory_space<hbm>>
    %dma_start3A_407 = tpu.memref_slice %arg4[%add3A_403] : memref<9830400xf32, #tpu.memory_space<hbm>> -> memref<12800xf32, #tpu.memory_space<hbm>>
    %dma_start3A_408 = arith.constant 12800 : i32
    %dma_start3A_409 = tpu.memref_slice %arg8[%dma_start3A_408] : memref<38400xf32, #tpu.memory_space<vmem>> -> memref<12800xf32, #tpu.memory_space<vmem>>
    tpu.enqueue_dma source(%dma_start3A_409 : memref<12800xf32, #tpu.memory_space<vmem>>) target(%dma_start3A_407 : memref<12800xf32, #tpu.memory_space<hbm>>) target_semaphore(%arg13 : memref<!tpu.dma_semaphore, #tpu.memory_space<semaphore_mem>>)
    %add3A_410 = arith.constant 6553600 : i32
    %add3A_411 = arith.addi %add3A_410, %mul3A_2 : i32
    %add3A_412 = arith.constant 89600 : i32
    %add3A_413 = arith.addi %add3A_411, %add3A_412 : i32
    %dma_start3A_414 = arith.constant 25600 : i32
    %dma_start3A_415 = tpu.memref_slice %arg8[%dma_start3A_414] : memref<38400xf32, #tpu.memory_space<vmem>> -> memref<12800xf32, #tpu.memory_space<vmem>>
    %dma_start3A_416 = tpu.memref_slice %arg4[%add3A_413] : memref<9830400xf32, #tpu.memory_space<hbm>> -> memref<12800xf32, #tpu.memory_space<hbm>>
    %dma_start3A_417 = tpu.memref_slice %arg4[%add3A_413] : memref<9830400xf32, #tpu.memory_space<hbm>> -> memref<12800xf32, #tpu.memory_space<hbm>>
    %dma_start3A_418 = arith.constant 25600 : i32
    %dma_start3A_419 = tpu.memref_slice %arg8[%dma_start3A_418] : memref<38400xf32, #tpu.memory_space<vmem>> -> memref<12800xf32, #tpu.memory_space<vmem>>
    tpu.enqueue_dma source(%dma_start3A_419 : memref<12800xf32, #tpu.memory_space<vmem>>) target(%dma_start3A_417 : memref<12800xf32, #tpu.memory_space<hbm>>) target_semaphore(%arg13 : memref<!tpu.dma_semaphore, #tpu.memory_space<semaphore_mem>>)
    %dma_wait3A_420 = arith.constant 0 : i32
    %dma_wait3A_421 = tpu.memref_slice %arg7[%dma_wait3A_420] : memref<38400xf32, #tpu.memory_space<vmem>> -> memref<12800xf32, #tpu.memory_space<vmem>>
    %dma_wait3A_422 = tpu.memref_slice %arg4[%add3A_340] : memref<9830400xf32, #tpu.memory_space<hbm>> -> memref<12800xf32, #tpu.memory_space<hbm>>
    %dma_wait3A_423 = tpu.memref_slice %arg4[%add3A_340] : memref<9830400xf32, #tpu.memory_space<hbm>> -> memref<12800xf32, #tpu.memory_space<hbm>>
    %dma_wait3A_424 = arith.constant 0 : i32
    %dma_wait3A_425 = tpu.memref_slice %arg7[%dma_wait3A_424] : memref<38400xf32, #tpu.memory_space<vmem>> -> memref<12800xf32, #tpu.memory_space<vmem>>
    tpu.wait_dma2 semaphore(%arg12 : memref<!tpu.dma_semaphore, #tpu.memory_space<semaphore_mem>>) src(%dma_wait3A_425 : memref<12800xf32, #tpu.memory_space<vmem>>) dst(%dma_wait3A_423 : memref<12800xf32, #tpu.memory_space<hbm>>)
    %dma_wait3A_426 = arith.constant 12800 : i32
    %dma_wait3A_427 = tpu.memref_slice %arg7[%dma_wait3A_426] : memref<38400xf32, #tpu.memory_space<vmem>> -> memref<12800xf32, #tpu.memory_space<vmem>>
    %dma_wait3A_428 = tpu.memref_slice %arg4[%add3A_350] : memref<9830400xf32, #tpu.memory_space<hbm>> -> memref<12800xf32, #tpu.memory_space<hbm>>
    %dma_wait3A_429 = tpu.memref_slice %arg4[%add3A_350] : memref<9830400xf32, #tpu.memory_space<hbm>> -> memref<12800xf32, #tpu.memory_space<hbm>>
    %dma_wait3A_430 = arith.constant 12800 : i32
    %dma_wait3A_431 = tpu.memref_slice %arg7[%dma_wait3A_430] : memref<38400xf32, #tpu.memory_space<vmem>> -> memref<12800xf32, #tpu.memory_space<vmem>>
    tpu.wait_dma2 semaphore(%arg12 : memref<!tpu.dma_semaphore, #tpu.memory_space<semaphore_mem>>) src(%dma_wait3A_431 : memref<12800xf32, #tpu.memory_space<vmem>>) dst(%dma_wait3A_429 : memref<12800xf32, #tpu.memory_space<hbm>>)
    %dma_wait3A_432 = arith.constant 25600 : i32
    %dma_wait3A_433 = tpu.memref_slice %arg7[%dma_wait3A_432] : memref<38400xf32, #tpu.memory_space<vmem>> -> memref<12800xf32, #tpu.memory_space<vmem>>
    %dma_wait3A_434 = tpu.memref_slice %arg4[%add3A_360] : memref<9830400xf32, #tpu.memory_space<hbm>> -> memref<12800xf32, #tpu.memory_space<hbm>>
    %dma_wait3A_435 = tpu.memref_slice %arg4[%add3A_360] : memref<9830400xf32, #tpu.memory_space<hbm>> -> memref<12800xf32, #tpu.memory_space<hbm>>
    %dma_wait3A_436 = arith.constant 25600 : i32
    %dma_wait3A_437 = tpu.memref_slice %arg7[%dma_wait3A_436] : memref<38400xf32, #tpu.memory_space<vmem>> -> memref<12800xf32, #tpu.memory_space<vmem>>
    tpu.wait_dma2 semaphore(%arg12 : memref<!tpu.dma_semaphore, #tpu.memory_space<semaphore_mem>>) src(%dma_wait3A_437 : memref<12800xf32, #tpu.memory_space<vmem>>) dst(%dma_wait3A_435 : memref<12800xf32, #tpu.memory_space<hbm>>)
    %dma_wait3A_438 = arith.constant 0 : i32
    %dma_wait3A_439 = tpu.memref_slice %arg8[%dma_wait3A_438] : memref<38400xf32, #tpu.memory_space<vmem>> -> memref<12800xf32, #tpu.memory_space<vmem>>
    %dma_wait3A_440 = tpu.memref_slice %arg4[%add3A_393] : memref<9830400xf32, #tpu.memory_space<hbm>> -> memref<12800xf32, #tpu.memory_space<hbm>>
    %dma_wait3A_441 = tpu.memref_slice %arg4[%add3A_393] : memref<9830400xf32, #tpu.memory_space<hbm>> -> memref<12800xf32, #tpu.memory_space<hbm>>
    %dma_wait3A_442 = arith.constant 0 : i32
    %dma_wait3A_443 = tpu.memref_slice %arg8[%dma_wait3A_442] : memref<38400xf32, #tpu.memory_space<vmem>> -> memref<12800xf32, #tpu.memory_space<vmem>>
    tpu.wait_dma2 semaphore(%arg13 : memref<!tpu.dma_semaphore, #tpu.memory_space<semaphore_mem>>) src(%dma_wait3A_443 : memref<12800xf32, #tpu.memory_space<vmem>>) dst(%dma_wait3A_441 : memref<12800xf32, #tpu.memory_space<hbm>>)
    %dma_wait3A_444 = arith.constant 12800 : i32
    %dma_wait3A_445 = tpu.memref_slice %arg8[%dma_wait3A_444] : memref<38400xf32, #tpu.memory_space<vmem>> -> memref<12800xf32, #tpu.memory_space<vmem>>
    %dma_wait3A_446 = tpu.memref_slice %arg4[%add3A_403] : memref<9830400xf32, #tpu.memory_space<hbm>> -> memref<12800xf32, #tpu.memory_space<hbm>>
    %dma_wait3A_447 = tpu.memref_slice %arg4[%add3A_403] : memref<9830400xf32, #tpu.memory_space<hbm>> -> memref<12800xf32, #tpu.memory_space<hbm>>
    %dma_wait3A_448 = arith.constant 12800 : i32
    %dma_wait3A_449 = tpu.memref_slice %arg8[%dma_wait3A_448] : memref<38400xf32, #tpu.memory_space<vmem>> -> memref<12800xf32, #tpu.memory_space<vmem>>
    tpu.wait_dma2 semaphore(%arg13 : memref<!tpu.dma_semaphore, #tpu.memory_space<semaphore_mem>>) src(%dma_wait3A_449 : memref<12800xf32, #tpu.memory_space<vmem>>) dst(%dma_wait3A_447 : memref<12800xf32, #tpu.memory_space<hbm>>)
    %dma_wait3A_450 = arith.constant 25600 : i32
    %dma_wait3A_451 = tpu.memref_slice %arg8[%dma_wait3A_450] : memref<38400xf32, #tpu.memory_space<vmem>> -> memref<12800xf32, #tpu.memory_space<vmem>>
    %dma_wait3A_452 = tpu.memref_slice %arg4[%add3A_413] : memref<9830400xf32, #tpu.memory_space<hbm>> -> memref<12800xf32, #tpu.memory_space<hbm>>
    %dma_wait3A_453 = tpu.memref_slice %arg4[%add3A_413] : memref<9830400xf32, #tpu.memory_space<hbm>> -> memref<12800xf32, #tpu.memory_space<hbm>>
    %dma_wait3A_454 = arith.constant 25600 : i32
    %dma_wait3A_455 = tpu.memref_slice %arg8[%dma_wait3A_454] : memref<38400xf32, #tpu.memory_space<vmem>> -> memref<12800xf32, #tpu.memory_space<vmem>>
    tpu.wait_dma2 semaphore(%arg13 : memref<!tpu.dma_semaphore, #tpu.memory_space<semaphore_mem>>) src(%dma_wait3A_455 : memref<12800xf32, #tpu.memory_space<vmem>>) dst(%dma_wait3A_453 : memref<12800xf32, #tpu.memory_space<hbm>>)
    return
  }
}

</mosaic_0001>

<sc_bundles>
// kernel: _sc_lookup.3.cloned.1.call-start
scs
__scs_entry_jumppad:
0x0: {  	(pc) =	sbr.rel $0x88, $3  }
0x1: {  	(tag) =	ssettag $0x0;
	lr =	simm.s32 $0x1  }
0x2: {  	[smem:$0x3F9F] =	sst lr;
	_ =	strace $0xD0000000  }
0x3: {  	_ = 	snop  }
0x4: {  	_ = 	snop  }
0x5: {  	_ = 	snop  }
0x6: {  	_ = 	snop  }
0x7: {  	_ = 	snop  }
__scs_overlays_trampoline_lowered:
0x8: {  	[smem:$0x3FAE] =	sst s0  }
0x9: {  	[smem:$0x3FAF] =	sst s1  }
0xa: {  	[smem:$0x3FB0] =	sst s2  }
0xb: {  	[smem:$0x3FB1] =	sst s3  }
0xc: {  	[smem:$0x3FB2] =	sst s4  }
0xd: {  	[smem:$0x3FB3] =	sst s5  }
0xe: {  	[smem:$0x3FB4] =	sst s6  }
0xf: {  	[smem:$0x3FB5] =	sst s7  }
0x10: {  	[smem:$0x3FB6] =	sst s8  }
0x11: {  	[smem:$0x3FB7] =	sst s9;
	s0 =	simm.s32 @!p0 $0x0  }
0x12: {  	s1 =	sld [smem:$0x3F9D];
	s0 =	simm.s32 @p0 $0x1  }
0x13: {  	[smem:$0x3FB8] =	sst s0;
	s0 =	simm.s32 @!p1 $0x0  }
0x14: {  	s2 =	sld [smem:$0x3F9C];
	s0 =	simm.s32 @p1 $0x1  }
0x15: {  	[smem:$0x3FB9] =	sst s0;
	s0 =	simm.s32 @!p2 $0x0  }
0x16: {  	s3 =	sld [smem:$0x3FDB];
	s0 =	simm.s32 @p2 $0x1  }
0x17: {  	s4 =	simm.s32 $0x1BF5;
	[smem:$0x3FBB] =	sst s0  }
0x18: {  	s0 =	sld [smem:$0x3F9E];
	_ =	swait.ge [sflag:s4], $0x0  }
0x19: {  	s7 =	sld [smem:$0x3F9F]  }
0x1a: {  	s8 =	sadd.s32 $0xFFFFE003, lr  }
0x1b: {  	s9 =	sadd.s32 $0xFFFFFEF7, lr;
	s5 =	simm.s32 $0xFFFFFFFF;
	p2 =	slt.u32 s8, $0xFFFFF086  }
0x1c: {  	p1 =	slt.u32 s9, $0xF7A;
	s5 =	simm.s32 @!p2 $0x0  }
0x1d: {  	s5 =	simm.s32 @p1 $0x1;
	p0 =	seq.s32 s7, s2  }
0x1e: {  	s7 =	smul.u32 @!p0 $0xF7A, s2;
	p2 =	seq.s32 @!p0 s5, $0x0  }
0x1f: {  	s9 =	smul.u32 $0xF7A, s1;
	s8 =	simm.s32 @!p0 $0x1BF5;
	p2 =	por !p2, p0  }
0x20: {  	[sflag:s8] =	ssyncset.s32 @!p0 $0xFFFFF086;
	s6 =	sadd.s32 @!p0 s3, s7;
	s7 =	simm.s32 @!p0 $0x108  }
0x21: {  	s3 =	sadd.s32 s3, s9;
	s6 =	sadd.s32 @!p0 $0x88, s6;
	s7 =	simm.s32 @p2 $0x1082  }
0x22: {  	[simem:s7], [sflag:s8] =	dma.local @!p0 [hbm:s6], $0xF7A  }
0x23: {  	s9 =	sor.u32 $0xD0000000, s2;
	s6 =	simm.s32 $0x108;
	_ =	swait.ge @!p0 [sflag:s8], $0x0  }
0x24: {  	s3 =	sadd.s32 $0x88, s3;
	s6 =	simm.s32 @!p1 $0x1082;
	[sflag:s4] =	ssyncset.s32 $0xFFFFF086  }
0x25: {  	[simem:s6], [sflag:s4] =	dma.local [hbm:s3], $0xF7A  }
0x26: {  	[smem:$0x3F9F] =	sst s1;
	(tag) =	ssettag s2;
	_ =	strace s9  }
0x27: {  	s1 =	sld [smem:$0x3FAF]  }
0x28: {  	s2 =	sld [smem:$0x3FB0]  }
0x29: {  	s4 =	sld [smem:$0x3FB2]  }
0x2a: {  	p0 =	seq.s32 s5, $0x0;
	s5 =	sld [smem:$0x3FB3]  }
0x2b: {  	s6 =	sld [smem:$0x3FB4]  }
0x2c: {  	s7 =	sld [smem:$0x3FB5]  }
0x2d: {  	s3 =	simm.s32 $0x108;
	s8 =	sld [smem:$0x3FB6]  }
0x2e: {  	s3 =	simm.s32 @!p0 $0x1082;
	s9 =	sld [smem:$0x3FB7]  }
0x2f: {  	lr =	sadd.s32 s0, s3;
	s0 =	sld [smem:$0x3FAE]  }
0x30: {  	s3 =	sld [smem:$0x3FB1]  }
0x31: {  	[smem:$0x3FBA] =	sst s10  }
0x32: {  	s10 =	sld [smem:$0x3FB8];
	_ =	sdelay $0x3  }
0x33: {  	p0 =	seq.s32 s10, $0x1;
	s10 =	sld [smem:$0x3FBA];
	_ =	sdelay $0x3  }
0x34: {  	[smem:$0x3FBA] =	sst s10  }
0x35: {  	s10 =	sld [smem:$0x3FB9];
	_ =	sdelay $0x3  }
0x36: {  	p1 =	seq.s32 s10, $0x1;
	s10 =	sld [smem:$0x3FBA];
	_ =	sdelay $0x3  }
0x37: {  	[smem:$0x3FBA] =	sst s10  }
0x38: {  	s10 =	sld [smem:$0x3FBB]  }
0x39: {  	_ = 	snop;
	(pc) =	sbr.ind lr, $3  }
0x3a: {  	_ = 	snop  }
0x3b: {  	_ = 	snop  }
0x3c: {  	p2 =	seq.s32 s10, $0x1;
	s10 =	sld [smem:$0x3FBA]  }
0x3d: {  	_ =	shalt  }
0x3e: {  	_ =	shalt  }
0x3f: {  	_ =	shalt  }
0x40: {  	_ =	shalt  }
0x41: {  	_ =	shalt  }
0x42: {  	_ =	shalt  }
0x43: {  	_ =	shalt  }
0x44: {  	_ =	shalt  }
0x45: {  	_ =	shalt  }
0x46: {  	_ =	shalt  }
0x47: {  	_ =	shalt  }
0x48: {  	_ =	shalt  }
0x49: {  	_ =	shalt  }
0x4a: {  	_ =	shalt  }
0x4b: {  	_ =	shalt  }
0x4c: {  	_ =	shalt  }
0x4d: {  	_ =	shalt  }
0x4e: {  	_ =	shalt  }
0x4f: {  	_ =	shalt  }
0x50: {  	_ =	shalt  }
0x51: {  	_ =	shalt  }
0x52: {  	_ =	shalt  }
0x53: {  	_ =	shalt  }
0x54: {  	_ =	shalt  }
0x55: {  	_ =	shalt  }
0x56: {  	_ =	shalt  }
0x57: {  	_ =	shalt  }
0x58: {  	_ =	shalt  }
0x59: {  	_ =	shalt  }
0x5a: {  	_ =	shalt  }
0x5b: {  	_ =	shalt  }
0x5c: {  	_ =	shalt  }
0x5d: {  	_ =	shalt  }
0x5e: {  	_ =	shalt  }
0x5f: {  	_ =	shalt  }
0x60: {  	_ =	shalt  }
0x61: {  	_ =	shalt  }
0x62: {  	_ =	shalt  }
0x63: {  	_ =	shalt  }
0x64: {  	_ =	shalt  }
0x65: {  	_ =	shalt  }
0x66: {  	_ =	shalt  }
0x67: {  	_ =	shalt  }
0x68: {  	_ =	shalt  }
0x69: {  	_ =	shalt  }
0x6a: {  	_ =	shalt  }
0x6b: {  	_ =	shalt  }
0x6c: {  	_ =	shalt  }
0x6d: {  	_ =	shalt  }
0x6e: {  	_ =	shalt  }
0x6f: {  	_ =	shalt  }
0x70: {  	_ =	shalt  }
0x71: {  	_ =	shalt  }
0x72: {  	_ =	shalt  }
0x73: {  	_ =	shalt  }
0x74: {  	_ =	shalt  }
0x75: {  	_ =	shalt  }
0x76: {  	_ =	shalt  }
0x77: {  	_ =	shalt  }
0x78: {  	_ =	shalt  }
0x79: {  	_ =	shalt  }
0x7a: {  	_ =	shalt  }
0x7b: {  	_ =	shalt  }
0x7c: {  	_ =	shalt  }
0x7d: {  	_ =	shalt  }
0x7e: {  	_ =	shalt  }
0x7f: {  	_ =	shalt  }
0x80: {  	_ =	shalt  }
0x81: {  	_ =	shalt  }
0x82: {  	_ =	shalt  }
0x83: {  	_ =	shalt  }
0x84: {  	_ =	shalt  }
0x85: {  	_ =	shalt  }
0x86: {  	_ =	shalt  }
0x87: {  	_ =	shalt  }
.Lfunc_end0:
.L_simem_size_0:
called_computation_lowered:
.L_overlay_start_0:
0x88: {  	s2 =	sld [smem:$0x3FD9]  }
0x89: {  	s3 =	sld [smem:$0x3FFE];
	_ =	sdelay $0x1  }
0x8a: {  	s1 =	srdreg.scid  }
0x8b: {  	s0 =	sand.u32 $0x1, s1  }
0x8c: {  	s18 =	sshll.u32 s0, $0xA;
	s2 =	sadd.s32 s3, s2  }
0x8d: {  	s2 =	sadd.s32 s2, s18  }
0x8e: {  	[smem:$0x3FC6] =	sst s2  }
0x8f: {  	_ = 	snop  }
0x90: {  	s2 =	sld [smem:$0x3FC9]  }
0x91: {  	s19 =	sld [smem:$0x3FC8]  }
0x92: {  	s4 =	sld [smem:$0x3FD0];
	(tm) =	ssettm $0x1  }
0x93: {  	s5 =	sld [smem:$0x3FFB];
	_ =	sdelay $0x3  }
0x94: {  	_ =	strace s5  }
0x95: {  	s5 =	sld [smem:$0x3FFC];
	_ =	sdelay $0x3  }
0x96: {  	_ =	strace s5  }
0x97: {  	s5 =	sld [smem:$0x3FFD];
	_ =	sdelay $0x3  }
0x98: {  	_ =	strace s5  }
0x99: {  	_ =	strace $0x8FFFFFFF  }
0x9a: {  	s20 =	sld [smem:$0x3FDB];
	_ =	sdelay $0x1  }
0x9b: {  	s6 =	simm.s32 $_scs_section_size  }
0x9c: {  	s7 =	simm.s32 $_size__tile_overlayer_lowered;
	s8 =	simm.s32 $_tile_overlayer_lowered  }
0x9d: {  	s23 =	simm.s32 $0x1BFF;
	s22 =	sshll.u32 s8, $0x1;
	s5 =	sadd.s32 s6, s20  }
0x9e: {  	s9 =	simm.s32 $0x0;
	s21 =	sshll.u32 s7, $0x1;
	s7 =	sadd.s32 s22, s5  }
0x9f: {  	[timem:s9], [sflag:s23] =	dma.local [hbm:s7], s21  }
0xa0: {  	_ =	swait.ge [sflag:s23], s21  }
0xa1: {  	s6 =	ssub.s32 $0x0, s21;
	[sflag:s23] =	ssyncset.done $0x0  }
0xa2: {  	[sflag:s23] =	ssyncadd.s32 s6;
	_ =	sdelay $0x1  }
0xa3: {  	s24 =	simm.s32 $0x1B8B  }
0xa4: {  	_ =	swait.ge [sflag:s24], $0x1  }
0xa5: {  	[sflag:s24] =	ssyncset.done $0x0  }
0xa6: {  	s25 =	simm.s32 $0x1B8E;
	[sflag:s24] =	ssyncadd.s32 $0xFFFFFFFF  }
0xa7: {  	s26 =	simm.s32 $execute0_lowered;
	[smem:$0x3FD2] =	sst s25  }
0xa8: {  	s6 =	sshll.u32 s26, $0x1;
	_ =	strace $0x80000046;
	[dreg:$0x1] =	wrdreg $0xFFFFFFFF  }
0xa9: {  	s28 =	simm.s32 $_size_execute0_lowered;
	s5 =	sadd.s32 s5, s6;
	[dreg:$0x0] =	wrdreg $0x0  }
0xaa: {  	s6 =	sshll.u32 s28, $0x1;
	[dreg:$0x2] =	wrdreg s5  }
0xab: {  	[dreg:$0x3] =	wrdreg s6  }
0xac: {  	[dreg:$0x4] =	wrdreg $0xC0  }
0xad: {  	_ =	task [dreg:s9], $0x5FFFF  }
0xae: {  	[dreg:$0x1] =	wrdreg $0xFFFFFFFF  }
0xaf: {  	[dreg:$0x0] =	wrdreg $0x60  }
0xb0: {  	[dreg:$0x2] =	wrdreg s2  }
0xb1: {  	[dreg:$0x3] =	wrdreg s19  }
0xb2: {  	[dreg:$0x4] =	wrdreg s4  }
0xb3: {  	[dreg:$0x5] =	wrdreg $0x9  }
0xb4: {  	_ =	task.clear_ibuf [dreg:s9], $0x6FFFF;
	_ =	strace $0x90000046  }
0xb5: {  	s29 =	simm.s32 $0x9;
	_ =	strace $0x80000048  }
0xb6: {  	_ =	swait.ge [sflag:s29], $0x1  }
0xb7: {  	[sflag:s29] =	ssyncadd.s32 $0xFFFFFFFF  }
0xb8: {  	_ =	strace $0x90000048  }
0xb9: {  	_ =	sfence  }
0xba: {  	s30 =	sld [smem:$0x0];
	_ =	sdelay $0x2  }
0xbb: {  	s31 =	sshll.u32 s1, $0xD;
	s1 =	sshrl.u32 s1, $0x2  }
0xbc: {  	s3 =	sand.u32 $0x4000, s31;
	s1 =	sadd.s32 s1, s30  }
0xbd: {  	s0 =	sor.u32 s3, s0;
	s1 =	sshll.u32 s1, $0x11  }
0xbe: {  	s0 =	sor.u32 s1, s0  }
0xbf: {  	s0 =	sadd.s32 $0x8F2B, s0  }
0xc0: {  	[sflag:s0] =	ssyncadd.remote.s32 $0x1  }
0xc1: {  	_ =	sfence.sel $0xFFFF  }
0xc2: {  	[dreg:$0x0] =	wrdreg $0xFFFFFFFF;
	(pc) =	sbr.abs _section_cstart, $3  }
0xc3: {  	[dreg:$0x1] =	wrdreg $0xFFFFFFFF  }
0xc4: {  	_ =	task.clear_ibuf [dreg:s9], $0x2FFFF;
	_ =	strace $0x9FFFFFFF  }
0xc5: {  	(tm) =	ssettm $0x7FFFFFFF  }
tec
execute0_lowered:
.L_overlay_start_1:
0x0: {  	(tag) =	ssettag $0x1  }
0x1: {  	s1 =	srdreg.scid;
	s3 =	stileid.u32  }
0x2: {  	s0 =	rddreg [dreg:$0x0];
	s1 =	sand.u32 $0x1, s1;
	s3 =	sshll.u32 s3, $0x1  }
0x3: {  	s2 =	rddreg [dreg:$0x2];
	s4 =	sor.u32 s1, s3  }
0x4: {  	s3 =	simm.s32 $0x0;
	s1 =	ssub.s32 $0x2, s1;
	s4 =	smul.u32 $0x19000, s4  }
0x5: {  	[smem:$0x7FF] =	sst s3;
	s5 =	sshrl.u32 s1, $0x1  }
0x6: {  	_ =	strace $0x80000047;
	s1 =	ssub.s32 s1, s5;
	s4 =	sshrl.u32 s4, $0x3  }
0x7: {  	s26 =	smax.u32 s1, $0x1;
	s9 =	sadd.s32 s0, s4;
	s6 =	sadd.s32 $0x640, s4  }
0x8: {  	s5 =	sadd.s32 s2, s4;
	s11 =	sadd.s32 $0xC80, s4;
	[dreg:$0x18] =	wrdreg s26  }
0x9: {  	s15 =	sadd.s32 $0x12C0, s4;
	[dreg:$0x4] =	wrdreg s9;
	s7 =	sadd.s32 s0, s6  }
0xa: {  	s17 =	sadd.s32 $0x1900, s4;
	s10 =	sadd.s32 $0x64000, s5;
	[dreg:$0x5] =	wrdreg s7  }
0xb: {  	s19 =	sadd.s32 $0x1F40, s4;
	s8 =	sadd.s32 $0xC8000, s5;
	[dreg:$0x6] =	wrdreg s10  }
0xc: {  	s21 =	sadd.s32 $0x2580, s4;
	s12 =	sadd.s32 s0, s11;
	[dreg:$0x7] =	wrdreg s8  }
0xd: {  	s4 =	sadd.s32 $0x2BC0, s4;
	s6 =	sadd.s32 s2, s6;
	[dreg:$0x8] =	wrdreg s12  }
0xe: {  	s13 =	sadd.s32 $0x64640, s5;
	s14 =	sadd.s32 $0xC8640, s5;
	[dreg:$0x9] =	wrdreg s6  }
0xf: {  	s16 =	sadd.s32 s0, s15;
	s18 =	sadd.s32 s0, s17;
	[dreg:$0xa] =	wrdreg s13  }
0x10: {  	s20 =	sadd.s32 s0, s19;
	s22 =	sadd.s32 s0, s21;
	[dreg:$0xb] =	wrdreg s14  }
0x11: {  	s0 =	sadd.s32 s0, s4;
	s23 =	sadd.s32 s2, s21;
	[dreg:$0xc] =	wrdreg s16  }
0x12: {  	s24 =	sadd.s32 s2, s4;
	s25 =	sadd.s32 $0x64C80, s5;
	[dreg:$0xe] =	wrdreg s18  }
0x13: {  	s26 =	sadd.s32 $0xC8C80, s5;
	s28 =	sadd.s32 $0x652C0, s5;
	[dreg:$0x10] =	wrdreg s20  }
0x14: {  	s29 =	sadd.s32 $0xC92C0, s5;
	s30 =	sadd.s32 $0x65900, s5;
	[dreg:$0x12] =	wrdreg s22  }
0x15: {  	s31 =	sadd.s32 $0xC9900, s5;
	s1 =	sadd.s32 $0x65F40, s5;
	[dreg:$0x14] =	wrdreg s0  }
0x16: {  	s4 =	sadd.s32 $0xCA580, s5;
	s9 =	simm.s32 $0x5;
	[dreg:$0x15] =	wrdreg s23  }
0x17: {  	s21 =	simm.s32 $0x0;
	s7 =	sadd.s32 s2, s11;
	[dreg:$0x16] =	wrdreg s24  }
0x18: {  	s6 =	sadd.s32 s2, s15;
	[dreg:$0x17] =	wrdreg s25;
	s0 =	sadd.s32 $0xC9F40, s5  }
0x19: {  	s8 =	simm.s32 $0x19000;
	s10 =	simm.s32 $0x3200;
	s11 =	simm.s32 $0x1  }
0x1a: {  	s12 =	simm.s32 $0x6400;
	s13 =	simm.s32 $0x9600;
	s14 =	simm.s32 $0xC800  }
0x1b: {  	s15 =	simm.s32 $0x2;
	s16 =	simm.s32 $0xFA00;
	[dreg:$0xd] =	wrdreg s7  }
0x1c: {  	s18 =	simm.s32 $0x15E00;
	s20 =	simm.s32 $0x4;
	[dreg:$0xf] =	wrdreg s6  }
0x1d: {  	s7 =	sadd.s32 s2, s17;
	s6 =	sadd.s32 s2, s19;
	s2 =	sadd.s32 $0x66580, s5  }
0x1e: {  	s17 =	simm.s32 $0x12C00;
	s19 =	simm.s32 $0x3;
	[dreg:$0x11] =	wrdreg s7  }
0x1f: {  	[dreg:$0x13] =	wrdreg s6;
	s6 =	sadd.s32 $0x66BC0, s5;
	s7 =	sadd.s32 $0xCABC0, s5  }
.LBB2_1:
0x20: {  	s22 =	rddreg [dreg:$0x1]  }
0x21: {  	[tilespmem:s8], [sflag:$0x5] =	stream.linear.gather [hbm4b:s22+s3], $0x80, $0x38;
	[tilespmem:$0x19080] =	vst v63  }
0x22: {  	_ =	swait.ge [sflag:s9], $0x80  }
0x23: {  	[sflag:s9] =	ssyncset.done $0x0  }
0x24: {  	s24 =	rddreg [dreg:$0x4];
	[sflag:s9] =	ssyncadd.s32 $0xFFFFFF80  }
0x25: {  	[tilespmem:s3], [sflag:$0x1] =	stream.linear.gather [hbm4b:s24+s3], $0x3200, $0x38;
	[tilespmem:$0x19080] =	vst v63  }
0x26: {  	s25 =	rddreg [dreg:$0x5]  }
0x27: {  	[tilespmem:s10], [sflag:$0x2] =	stream.linear.gather [hbm4b:s25+s3], $0x3200, $0x38;
	[tilespmem:$0x19080] =	vst v63  }
0x28: {  	_ =	swait.ge [sflag:s11], $0x3200  }
0x29: {  	[sflag:s11] =	ssyncset.done $0x0  }
0x2a: {  	s22 =	simm.s32 $0x0;
	[sflag:s11] =	ssyncadd.s32 $0xFFFFCE00  }
0x2b: {  	v0 =	vld [tilespmem:s22+$0x70]  }
0x2c: {  	v1 =	vld [tilespmem:s22+$0x0]  }
0x2d: {  	v2 =	vld [tilespmem:s22+$0x10]  }
0x2e: {  	v3 =	vld [tilespmem:s22+$0x20]  }
0x2f: {  	v4 =	vld [tilespmem:s22+$0x30]  }
0x30: {  	v5 =	vld [tilespmem:s22+$0x40];
	v0 =	vmul.u32 $0x3, v0  }
0x31: {  	v6 =	vld [tilespmem:s22+$0x50];
	v1 =	vmul.u32 $0x3, v1  }
0x32: {  	v7 =	vld [tilespmem:s22+$0x60];
	v2 =	vmul.u32 $0x3, v2  }
0x33: {  	v3 =	vmul.u32 $0x3, v3  }
0x34: {  	v9 =	vmul.u32 $0x3, v4  }
0x35: {  	v10 =	vmul.u32 $0x3, v5  }
0x36: {  	v11 =	vmul.u32 $0x3, v6;
	v4 =	vld.idx.msk [tilespmem:v0+s8+$0x0], $0xffff  }
0x37: {  	v12 =	vmul.u32 $0x3, v7;
	v5 =	vld.idx.msk [tilespmem:v1+s8+$0x0], $0xffff  }
0x38: {  	v6 =	vld.idx.msk [tilespmem:v2+s8+$0x0], $0xffff  }
0x39: {  	v7 =	vadd.s32 $0x1, v0;
	v8 =	vld.idx.msk [tilespmem:v3+s8+$0x0], $0xffff  }
0x3a: {  	v13 =	vadd.s32 $0x1, v1;
	v14 =	vld.idx.msk [tilespmem:v9+s8+$0x0], $0xffff  }
0x3b: {  	v15 =	vadd.s32 $0x1, v2;
	v16 =	vld.idx.msk [tilespmem:v10+s8+$0x0], $0xffff  }
0x3c: {  	v17 =	vadd.s32 $0x1, v3;
	v18 =	vld.idx.msk [tilespmem:v11+s8+$0x0], $0xffff;
	[tilespmem:s22+$0x6470] =	vst v4  }
0x3d: {  	v4 =	vadd.s32 $0x1, v9;
	[tilespmem:s22+$0x6410] =	vst v6;
	v6 =	vld.idx.msk [tilespmem:v12+s8+$0x0], $0xffff  }
0x3e: {  	[tilespmem:s22+$0x6400] =	vst v5;
	v5 =	vld.idx.msk [tilespmem:v7+s8+$0x0], $0xffff;
	v7 =	vadd.s32 $0x1, v10  }
0x3f: {  	[tilespmem:s22+$0x6420] =	vst v8;
	v8 =	vadd.s32 $0x1, v11;
	v13 =	vld.idx.msk [tilespmem:v13+s8+$0x0], $0xffff  }
0x40: {  	v0 =	vadd.s32 $0x2, v0;
	[tilespmem:s22+$0x6430] =	vst v14;
	v15 =	vld.idx.msk [tilespmem:v15+s8+$0x0], $0xffff  }
0x41: {  	v61 =	vadd.s32 $0x1, v12;
	[tilespmem:s22+$0x6440] =	vst v16;
	v17 =	vld.idx.msk [tilespmem:v17+s8+$0x0], $0xffff  }
0x42: {  	v1 =	vadd.s32 $0x2, v1;
	[tilespmem:s22+$0x6450] =	vst v18;
	v62 =	vld.idx.msk [tilespmem:v4+s8+$0x0], $0xffff  }
0x43: {  	v2 =	vadd.s32 $0x2, v2;
	[tilespmem:s22+$0x6460] =	vst v6;
	v63 =	vld.idx.msk [tilespmem:v7+s8+$0x0], $0xffff  }
0x44: {  	v19 =	vadd.s32 $0x2, v3;
	[tilespmem:s22+$0x9670] =	vst v5;
	v5 =	vld.idx.msk [tilespmem:v8+s8+$0x0], $0xffff  }
0x45: {  	v3 =	vadd.s32 $0x2, v9;
	[tilespmem:s22+$0x9600] =	vst v13;
	v7 =	vld.idx.msk [tilespmem:v0+s8+$0x0], $0xffff  }
0x46: {  	[tilespmem:s22+$0x9610] =	vst v15;
	v8 =	vld.idx.msk [tilespmem:v61+s8+$0x0], $0xffff  }
0x47: {  	[tilespmem:s22+$0x9620] =	vst v17;
	v4 =	vld.idx.msk [tilespmem:v1+s8+$0x0], $0xffff  }
0x48: {  	v6 =	vld.idx.msk [tilespmem:v2+s8+$0x0], $0xffff;
	[tilespmem:s22+$0x9630] =	vst v62  }
0x49: {  	s23 =	simm.s32 $0x0;
	s24 =	simm.s32 $0x200;
	v2 =	vadd.s32 $0x2, v10;
	v1 =	vadd.s32 $0x2, v11;
	v0 =	vadd.s32 $0x2, v12;
	v9 =	vld.idx.msk [tilespmem:v19+s8+$0x0], $0xffff;
	[tilespmem:s22+$0x9640] =	vst v63  }
.LBB2_2:
0x4a: {  	s25 =	sshra.s32 s24, $0x2;
	s23 =	sadd.s32 $0x8, s23;
	v3 =	vld.idx.msk [tilespmem:v3+s8+$0x0], $0xffff;
	[tilespmem:s22+$0xC870] =	vst v7  }
0x4b: {  	v7 =	vld [tilespmem:s25+$0x70];
	p0 =	slt.u32 s23, $0x318;
	[tilespmem:s22+$0x9650] =	vst v5  }
0x4c: {  	v5 =	vld [tilespmem:s25+$0x0];
	[tilespmem:s22+$0x9660] =	vst v8  }
0x4d: {  	v8 =	vld [tilespmem:s25+$0x10];
	[tilespmem:s22+$0xC800] =	vst v4  }
0x4e: {  	v4 =	vld [tilespmem:s25+$0x20];
	[tilespmem:s22+$0xC810] =	vst v6  }
0x4f: {  	v6 =	vld [tilespmem:s25+$0x30];
	[tilespmem:s22+$0xC820] =	vst v9  }
0x50: {  	v9 =	vld [tilespmem:s25+$0x40];
	v7 =	vmul.u32 $0x3, v7;
	[tilespmem:s22+$0xC830] =	vst v3  }
0x51: {  	v5 =	vmul.u32 $0x3, v5;
	v10 =	vld [tilespmem:s25+$0x50]  }
0x52: {  	v8 =	vmul.u32 $0x3, v8;
	v11 =	vld [tilespmem:s25+$0x60]  }
0x53: {  	v12 =	vadd.s32 $0x1, v5;
	v13 =	vadd.s32 $0x2, v5;
	v4 =	vmul.u32 $0x3, v4;
	v14 =	vld.idx.msk [tilespmem:v2+s8+$0x0], $0xffff  }
0x54: {  	v15 =	vadd.s32 $0x1, v8;
	v16 =	vadd.s32 $0x2, v8;
	v6 =	vmul.u32 $0x3, v6;
	v17 =	vld.idx.msk [tilespmem:v1+s8+$0x0], $0xffff  }
0x55: {  	v18 =	vadd.s32 $0x1, v4;
	v19 =	vadd.s32 $0x2, v4;
	v9 =	vmul.u32 $0x3, v9;
	v20 =	vld.idx.msk [tilespmem:v0+s8+$0x0], $0xffff  }
0x56: {  	v21 =	vadd.s32 $0x1, v6;
	v3 =	vadd.s32 $0x2, v6;
	v10 =	vmul.u32 $0x3, v10;
	v22 =	vld.idx.msk [tilespmem:v7+s8+$0x0], $0xffff  }
0x57: {  	v5 =	vld.idx.msk [tilespmem:v5+s8+$0x0], $0xffff;
	v23 =	vadd.s32 $0x1, v9;
	v2 =	vadd.s32 $0x2, v9;
	v11 =	vmul.u32 $0x3, v11  }
0x58: {  	v25 =	vadd.s32 $0x1, v7;
	v8 =	vld.idx.msk [tilespmem:v8+s8+$0x0], $0xffff;
	v24 =	vadd.s32 $0x1, v10;
	v1 =	vadd.s32 $0x2, v10  }
0x59: {  	v4 =	vld.idx.msk [tilespmem:v4+s8+$0x0], $0xffff;
	v26 =	vadd.s32 $0x1, v11;
	v0 =	vadd.s32 $0x2, v11;
	[tilespmem:s22+$0xC840] =	vst v14  }
0x5a: {  	v6 =	vld.idx.msk [tilespmem:v6+s8+$0x0], $0xffff;
	[tilespmem:s22+$0xC850] =	vst v17  }
0x5b: {  	v9 =	vld.idx.msk [tilespmem:v9+s8+$0x0], $0xffff;
	[tilespmem:s22+$0xC860] =	vst v20;
	s22 =	smov.u32 s25  }
0x5c: {  	v10 =	vld.idx.msk [tilespmem:v10+s8+$0x0], $0xffff;
	[tilespmem:s22+$0x6470] =	vst v22  }
0x5d: {  	[tilespmem:s22+$0x6400] =	vst v5;
	v5 =	vld.idx.msk [tilespmem:v25+s8+$0x0], $0xffff  }
0x5e: {  	[tilespmem:s22+$0x6410] =	vst v8;
	v8 =	vld.idx.msk [tilespmem:v11+s8+$0x0], $0xffff  }
0x5f: {  	v11 =	vld.idx.msk [tilespmem:v12+s8+$0x0], $0xffff;
	[tilespmem:s22+$0x6420] =	vst v4;
	v4 =	vadd.s32 $0x2, v7  }
0x60: {  	v12 =	vld.idx.msk [tilespmem:v15+s8+$0x0], $0xffff;
	[tilespmem:s22+$0x6430] =	vst v6  }
0x61: {  	v6 =	vld.idx.msk [tilespmem:v18+s8+$0x0], $0xffff;
	[tilespmem:s22+$0x6440] =	vst v9  }
0x62: {  	v9 =	vld.idx.msk [tilespmem:v21+s8+$0x0], $0xffff;
	[tilespmem:s22+$0x6450] =	vst v10  }
0x63: {  	v10 =	vld.idx.msk [tilespmem:v23+s8+$0x0], $0xffff;
	[tilespmem:s22+$0x9670] =	vst v5  }
0x64: {  	[tilespmem:s22+$0x6460] =	vst v8;
	v7 =	vld.idx.msk [tilespmem:v4+s8+$0x0], $0xffff  }
.Ltmp0:
0x65: {  	[tilespmem:s22+$0x9600] =	vst v11;
	v5 =	vld.idx.msk [tilespmem:v24+s8+$0x0], $0xffff;
	(pc) =	sbr.rel @p0 .LBB2_2-.Ltmp0, $4  }
0x66: {  	[tilespmem:s22+$0x9610] =	vst v12;
	v8 =	vld.idx.msk [tilespmem:v26+s8+$0x0], $0xffff  }
0x67: {  	v4 =	vld.idx.msk [tilespmem:v13+s8+$0x0], $0xffff;
	[tilespmem:s22+$0x9620] =	vst v6  }
0x68: {  	v6 =	vld.idx.msk [tilespmem:v16+s8+$0x0], $0xffff;
	[tilespmem:s22+$0x9630] =	vst v9  }
0x69: {  	s24 =	sadd.s32 $0x200, s24;
	v9 =	vld.idx.msk [tilespmem:v19+s8+$0x0], $0xffff;
	[tilespmem:s22+$0x9640] =	vst v10  }
0x6a: {  	_ =	sdelay $0x2  }
0x6b: {  	[tilespmem:s22+$0xC870] =	vst v7  }
0x6c: {  	v3 =	vld.idx.msk [tilespmem:v3+s8+$0x0], $0xffff;
	[tilespmem:s22+$0x9650] =	vst v5  }
0x6d: {  	v2 =	vld.idx.msk [tilespmem:v2+s8+$0x0], $0xffff;
	[tilespmem:s22+$0x9660] =	vst v8  }
0x6e: {  	v1 =	vld.idx.msk [tilespmem:v1+s8+$0x0], $0xffff;
	[tilespmem:s22+$0xC800] =	vst v4  }
0x6f: {  	v0 =	vld.idx.msk [tilespmem:v0+s8+$0x0], $0xffff;
	[tilespmem:s22+$0xC810] =	vst v6  }
0x70: {  	[tilespmem:s22+$0xC820] =	vst v9  }
0x71: {  	[tilespmem:s22+$0xC830] =	vst v3  }
0x72: {  	[tilespmem:s22+$0xC840] =	vst v2  }
0x73: {  	[tilespmem:s22+$0xC850] =	vst v1  }
0x74: {  	[tilespmem:s22+$0xC860] =	vst v0;
	s22 =	simm.s32 $0x0  }
0x75: {  	[hbm4b:s5+s22] =	stream.linear.scatter [tilespmem:s12], [sflag:$0x3], $0x3200, $0x38;
	[tilespmem:$0x19080] =	vst v63  }
0x76: {  	s23 =	rddreg [dreg:$0x6]  }
0x77: {  	[hbm4b:s23+s22] =	stream.linear.scatter [tilespmem:s13], [sflag:$0x3], $0x3200, $0x38;
	[tilespmem:$0x19080] =	vst v63  }
0x78: {  	s24 =	rddreg [dreg:$0x7]  }
0x79: {  	[hbm4b:s24+s22] =	stream.linear.scatter [tilespmem:s14], [sflag:$0x3], $0x3200, $0x38;
	[tilespmem:$0x19080] =	vst v63  }
0x7a: {  	s25 =	rddreg [dreg:$0x8]  }
0x7b: {  	[tilespmem:s22], [sflag:$0x1] =	stream.linear.gather [hbm4b:s25+s22], $0x3200, $0x38;
	[tilespmem:$0x19080] =	vst v63  }
0x7c: {  	_ =	swait.ge [sflag:s15], $0x3200  }
0x7d: {  	[sflag:s15] =	ssyncset.done $0x0  }
0x7e: {  	s22 =	simm.s32 $0x0;
	[sflag:s15] =	ssyncadd.s32 $0xFFFFCE00  }
0x7f: {  	v0 =	vld [tilespmem:s22+$0x3270]  }
0x80: {  	v1 =	vld [tilespmem:s22+$0x3200]  }
0x81: {  	v2 =	vld [tilespmem:s22+$0x3210]  }
0x82: {  	v3 =	vld [tilespmem:s22+$0x3220]  }
0x83: {  	v4 =	vld [tilespmem:s22+$0x3230]  }
0x84: {  	v5 =	vld [tilespmem:s22+$0x3240];
	v0 =	vmul.u32 $0x3, v0  }
0x85: {  	v6 =	vld [tilespmem:s22+$0x3250];
	v1 =	vmul.u32 $0x3, v1  }
0x86: {  	v7 =	vld [tilespmem:s22+$0x3260];
	v2 =	vmul.u32 $0x3, v2  }
0x87: {  	v3 =	vmul.u32 $0x3, v3  }
0x88: {  	v9 =	vmul.u32 $0x3, v4  }
0x89: {  	v10 =	vmul.u32 $0x3, v5  }
0x8a: {  	v11 =	vmul.u32 $0x3, v6;
	v4 =	vld.idx.msk [tilespmem:v0+s8+$0x0], $0xffff  }
0x8b: {  	v12 =	vmul.u32 $0x3, v7;
	v5 =	vld.idx.msk [tilespmem:v1+s8+$0x0], $0xffff  }
0x8c: {  	v6 =	vld.idx.msk [tilespmem:v2+s8+$0x0], $0xffff  }
0x8d: {  	v7 =	vadd.s32 $0x1, v0;
	v8 =	vld.idx.msk [tilespmem:v3+s8+$0x0], $0xffff  }
0x8e: {  	v13 =	vadd.s32 $0x1, v1;
	v14 =	vld.idx.msk [tilespmem:v9+s8+$0x0], $0xffff  }
0x8f: {  	v15 =	vadd.s32 $0x1, v2;
	v16 =	vld.idx.msk [tilespmem:v10+s8+$0x0], $0xffff  }
0x90: {  	v17 =	vadd.s32 $0x1, v3;
	v18 =	vld.idx.msk [tilespmem:v11+s8+$0x0], $0xffff;
	[tilespmem:s22+$0xFA70] =	vst v4  }
0x91: {  	v4 =	vadd.s32 $0x1, v9;
	[tilespmem:s22+$0xFA10] =	vst v6;
	v6 =	vld.idx.msk [tilespmem:v12+s8+$0x0], $0xffff  }
0x92: {  	[tilespmem:s22+$0xFA00] =	vst v5;
	v5 =	vld.idx.msk [tilespmem:v7+s8+$0x0], $0xffff;
	v7 =	vadd.s32 $0x1, v10  }
0x93: {  	[tilespmem:s22+$0xFA20] =	vst v8;
	v8 =	vadd.s32 $0x1, v11;
	v13 =	vld.idx.msk [tilespmem:v13+s8+$0x0], $0xffff  }
0x94: {  	v0 =	vadd.s32 $0x2, v0;
	[tilespmem:s22+$0xFA30] =	vst v14;
	v15 =	vld.idx.msk [tilespmem:v15+s8+$0x0], $0xffff  }
0x95: {  	v61 =	vadd.s32 $0x1, v12;
	[tilespmem:s22+$0xFA40] =	vst v16;
	v17 =	vld.idx.msk [tilespmem:v17+s8+$0x0], $0xffff  }
0x96: {  	v1 =	vadd.s32 $0x2, v1;
	[tilespmem:s22+$0xFA50] =	vst v18;
	v62 =	vld.idx.msk [tilespmem:v4+s8+$0x0], $0xffff  }
0x97: {  	v2 =	vadd.s32 $0x2, v2;
	[tilespmem:s22+$0xFA60] =	vst v6;
	v63 =	vld.idx.msk [tilespmem:v7+s8+$0x0], $0xffff  }
0x98: {  	v19 =	vadd.s32 $0x2, v3;
	[tilespmem:s22+$0x12C70] =	vst v5;
	v5 =	vld.idx.msk [tilespmem:v8+s8+$0x0], $0xffff  }
0x99: {  	v3 =	vadd.s32 $0x2, v9;
	[tilespmem:s22+$0x12C00] =	vst v13;
	v7 =	vld.idx.msk [tilespmem:v0+s8+$0x0], $0xffff  }
0x9a: {  	[tilespmem:s22+$0x12C10] =	vst v15;
	v8 =	vld.idx.msk [tilespmem:v61+s8+$0x0], $0xffff  }
0x9b: {  	[tilespmem:s22+$0x12C20] =	vst v17;
	v4 =	vld.idx.msk [tilespmem:v1+s8+$0x0], $0xffff  }
0x9c: {  	v6 =	vld.idx.msk [tilespmem:v2+s8+$0x0], $0xffff;
	[tilespmem:s22+$0x12C30] =	vst v62  }
0x9d: {  	s23 =	simm.s32 $0x0;
	s24 =	simm.s32 $0x200;
	v2 =	vadd.s32 $0x2, v10;
	v1 =	vadd.s32 $0x2, v11;
	v0 =	vadd.s32 $0x2, v12;
	v9 =	vld.idx.msk [tilespmem:v19+s8+$0x0], $0xffff;
	[tilespmem:s22+$0x12C40] =	vst v63  }
.LBB2_4:
0x9e: {  	s25 =	sshra.s32 s24, $0x2;
	s23 =	sadd.s32 $0x8, s23;
	v3 =	vld.idx.msk [tilespmem:v3+s8+$0x0], $0xffff;
	[tilespmem:s22+$0x15E70] =	vst v7  }
0x9f: {  	v7 =	vld [tilespmem:s25+$0x3270];
	p0 =	slt.u32 s23, $0x318;
	[tilespmem:s22+$0x12C50] =	vst v5  }
0xa0: {  	v5 =	vld [tilespmem:s25+$0x3200];
	[tilespmem:s22+$0x12C60] =	vst v8  }
0xa1: {  	v8 =	vld [tilespmem:s25+$0x3210];
	[tilespmem:s22+$0x15E00] =	vst v4  }
0xa2: {  	v4 =	vld [tilespmem:s25+$0x3220];
	[tilespmem:s22+$0x15E10] =	vst v6  }
0xa3: {  	v6 =	vld [tilespmem:s25+$0x3230];
	[tilespmem:s22+$0x15E20] =	vst v9  }
0xa4: {  	v9 =	vld [tilespmem:s25+$0x3240];
	v7 =	vmul.u32 $0x3, v7;
	[tilespmem:s22+$0x15E30] =	vst v3  }
0xa5: {  	v5 =	vmul.u32 $0x3, v5;
	v10 =	vld [tilespmem:s25+$0x3250]  }
0xa6: {  	v8 =	vmul.u32 $0x3, v8;
	v11 =	vld [tilespmem:s25+$0x3260]  }
0xa7: {  	v12 =	vadd.s32 $0x1, v5;
	v13 =	vadd.s32 $0x2, v5;
	v4 =	vmul.u32 $0x3, v4;
	v14 =	vld.idx.msk [tilespmem:v2+s8+$0x0], $0xffff  }
0xa8: {  	v15 =	vadd.s32 $0x1, v8;
	v16 =	vadd.s32 $0x2, v8;
	v6 =	vmul.u32 $0x3, v6;
	v17 =	vld.idx.msk [tilespmem:v1+s8+$0x0], $0xffff  }
0xa9: {  	v18 =	vadd.s32 $0x1, v4;
	v19 =	vadd.s32 $0x2, v4;
	v9 =	vmul.u32 $0x3, v9;
	v20 =	vld.idx.msk [tilespmem:v0+s8+$0x0], $0xffff  }
0xaa: {  	v21 =	vadd.s32 $0x1, v6;
	v3 =	vadd.s32 $0x2, v6;
	v10 =	vmul.u32 $0x3, v10;
	v22 =	vld.idx.msk [tilespmem:v7+s8+$0x0], $0xffff  }
0xab: {  	v5 =	vld.idx.msk [tilespmem:v5+s8+$0x0], $0xffff;
	v23 =	vadd.s32 $0x1, v9;
	v2 =	vadd.s32 $0x2, v9;
	v11 =	vmul.u32 $0x3, v11  }
0xac: {  	v25 =	vadd.s32 $0x1, v7;
	v8 =	vld.idx.msk [tilespmem:v8+s8+$0x0], $0xffff;
	v24 =	vadd.s32 $0x1, v10;
	v1 =	vadd.s32 $0x2, v10  }
0xad: {  	v4 =	vld.idx.msk [tilespmem:v4+s8+$0x0], $0xffff;
	v26 =	vadd.s32 $0x1, v11;
	v0 =	vadd.s32 $0x2, v11;
	[tilespmem:s22+$0x15E40] =	vst v14  }
0xae: {  	v6 =	vld.idx.msk [tilespmem:v6+s8+$0x0], $0xffff;
	[tilespmem:s22+$0x15E50] =	vst v17  }
0xaf: {  	v9 =	vld.idx.msk [tilespmem:v9+s8+$0x0], $0xffff;
	[tilespmem:s22+$0x15E60] =	vst v20;
	s22 =	smov.u32 s25  }
0xb0: {  	v10 =	vld.idx.msk [tilespmem:v10+s8+$0x0], $0xffff;
	[tilespmem:s22+$0xFA70] =	vst v22  }
0xb1: {  	[tilespmem:s22+$0xFA00] =	vst v5;
	v5 =	vld.idx.msk [tilespmem:v25+s8+$0x0], $0xffff  }
0xb2: {  	[tilespmem:s22+$0xFA10] =	vst v8;
	v8 =	vld.idx.msk [tilespmem:v11+s8+$0x0], $0xffff  }
0xb3: {  	v11 =	vld.idx.msk [tilespmem:v12+s8+$0x0], $0xffff;
	[tilespmem:s22+$0xFA20] =	vst v4;
	v4 =	vadd.s32 $0x2, v7  }
0xb4: {  	v12 =	vld.idx.msk [tilespmem:v15+s8+$0x0], $0xffff;
	[tilespmem:s22+$0xFA30] =	vst v6  }
0xb5: {  	v6 =	vld.idx.msk [tilespmem:v18+s8+$0x0], $0xffff;
	[tilespmem:s22+$0xFA40] =	vst v9  }
0xb6: {  	v9 =	vld.idx.msk [tilespmem:v21+s8+$0x0], $0xffff;
	[tilespmem:s22+$0xFA50] =	vst v10  }
0xb7: {  	v10 =	vld.idx.msk [tilespmem:v23+s8+$0x0], $0xffff;
	[tilespmem:s22+$0x12C70] =	vst v5  }
0xb8: {  	[tilespmem:s22+$0xFA60] =	vst v8;
	v7 =	vld.idx.msk [tilespmem:v4+s8+$0x0], $0xffff  }
.Ltmp1:
0xb9: {  	[tilespmem:s22+$0x12C00] =	vst v11;
	v5 =	vld.idx.msk [tilespmem:v24+s8+$0x0], $0xffff;
	(pc) =	sbr.rel @p0 .LBB2_4-.Ltmp1, $4  }
0xba: {  	[tilespmem:s22+$0x12C10] =	vst v12;
	v8 =	vld.idx.msk [tilespmem:v26+s8+$0x0], $0xffff  }
0xbb: {  	v4 =	vld.idx.msk [tilespmem:v13+s8+$0x0], $0xffff;
	[tilespmem:s22+$0x12C20] =	vst v6  }
0xbc: {  	v6 =	vld.idx.msk [tilespmem:v16+s8+$0x0], $0xffff;
	[tilespmem:s22+$0x12C30] =	vst v9  }
0xbd: {  	s24 =	sadd.s32 $0x200, s24;
	v9 =	vld.idx.msk [tilespmem:v19+s8+$0x0], $0xffff;
	[tilespmem:s22+$0x12C40] =	vst v10  }
0xbe: {  	_ =	sdelay $0x2  }
0xbf: {  	[tilespmem:s22+$0x15E70] =	vst v7  }
0xc0: {  	v3 =	vld.idx.msk [tilespmem:v3+s8+$0x0], $0xffff;
	[tilespmem:s22+$0x12C50] =	vst v5  }
0xc1: {  	v2 =	vld.idx.msk [tilespmem:v2+s8+$0x0], $0xffff;
	[tilespmem:s22+$0x12C60] =	vst v8  }
0xc2: {  	v1 =	vld.idx.msk [tilespmem:v1+s8+$0x0], $0xffff;
	[tilespmem:s22+$0x15E00] =	vst v4  }
0xc3: {  	v0 =	vld.idx.msk [tilespmem:v0+s8+$0x0], $0xffff;
	[tilespmem:s22+$0x15E10] =	vst v6  }
0xc4: {  	[tilespmem:s22+$0x15E20] =	vst v9  }
0xc5: {  	[tilespmem:s22+$0x15E30] =	vst v3  }
0xc6: {  	[tilespmem:s22+$0x15E40] =	vst v2  }
0xc7: {  	[tilespmem:s22+$0x15E50] =	vst v1  }
0xc8: {  	[tilespmem:s22+$0x15E60] =	vst v0  }
0xc9: {  	s22 =	simm.s32 $0x0;
	s23 =	rddreg [dreg:$0x9]  }
0xca: {  	[hbm4b:s23+s22] =	stream.linear.scatter [tilespmem:s16], [sflag:$0x4], $0x3200, $0x38;
	[tilespmem:$0x19080] =	vst v63  }
0xcb: {  	s25 =	rddreg [dreg:$0xa]  }
0xcc: {  	[hbm4b:s25+s22] =	stream.linear.scatter [tilespmem:s17], [sflag:$0x4], $0x3200, $0x38;
	[tilespmem:$0x19080] =	vst v63  }
0xcd: {  	s24 =	rddreg [dreg:$0xb]  }
0xce: {  	[hbm4b:s24+s22] =	stream.linear.scatter [tilespmem:s18], [sflag:$0x4], $0x3200, $0x38;
	[tilespmem:$0x19080] =	vst v63  }
0xcf: {  	s25 =	rddreg [dreg:$0xc]  }
0xd0: {  	[tilespmem:s10], [sflag:$0x2] =	stream.linear.gather [hbm4b:s25+s22], $0x3200, $0x38;
	[tilespmem:$0x19080] =	vst v63  }
0xd1: {  	_ =	swait.ge [sflag:s11], $0x3200  }
0xd2: {  	[sflag:s11] =	ssyncset.done $0x0  }
0xd3: {  	[sflag:s11] =	ssyncadd.s32 $0xFFFFCE00  }
0xd4: {  	_ =	swait.ge [sflag:s19], $0x3200  }
0xd5: {  	[sflag:s19] =	ssyncset.done $0x0  }
0xd6: {  	[sflag:s19] =	ssyncadd.s32 $0xFFFFCE00  }
0xd7: {  	_ =	swait.ge [sflag:s19], $0x3200  }
0xd8: {  	[sflag:s19] =	ssyncset.done $0x0  }
0xd9: {  	[sflag:s19] =	ssyncadd.s32 $0xFFFFCE00  }
0xda: {  	_ =	swait.ge [sflag:s19], $0x3200  }
0xdb: {  	[sflag:s19] =	ssyncset.done $0x0  }
0xdc: {  	s22 =	simm.s32 $0x0;
	[sflag:s19] =	ssyncadd.s32 $0xFFFFCE00  }
0xdd: {  	v0 =	vld [tilespmem:s22+$0x70]  }
0xde: {  	v1 =	vld [tilespmem:s22+$0x0]  }
0xdf: {  	v2 =	vld [tilespmem:s22+$0x10]  }
0xe0: {  	v3 =	vld [tilespmem:s22+$0x20]  }
0xe1: {  	v4 =	vld [tilespmem:s22+$0x30]  }
0xe2: {  	v5 =	vld [tilespmem:s22+$0x40];
	v0 =	vmul.u32 $0x3, v0  }
0xe3: {  	v6 =	vld [tilespmem:s22+$0x50];
	v1 =	vmul.u32 $0x3, v1  }
0xe4: {  	v7 =	vld [tilespmem:s22+$0x60];
	v2 =	vmul.u32 $0x3, v2  }
0xe5: {  	v3 =	vmul.u32 $0x3, v3  }
0xe6: {  	v9 =	vmul.u32 $0x3, v4  }
0xe7: {  	v10 =	vmul.u32 $0x3, v5  }
0xe8: {  	v11 =	vmul.u32 $0x3, v6;
	v4 =	vld.idx.msk [tilespmem:v0+s8+$0x0], $0xffff  }
0xe9: {  	v12 =	vmul.u32 $0x3, v7;
	v5 =	vld.idx.msk [tilespmem:v1+s8+$0x0], $0xffff  }
0xea: {  	v6 =	vld.idx.msk [tilespmem:v2+s8+$0x0], $0xffff  }
0xeb: {  	v7 =	vadd.s32 $0x1, v0;
	v8 =	vld.idx.msk [tilespmem:v3+s8+$0x0], $0xffff  }
0xec: {  	v13 =	vadd.s32 $0x1, v1;
	v14 =	vld.idx.msk [tilespmem:v9+s8+$0x0], $0xffff  }
0xed: {  	v15 =	vadd.s32 $0x1, v2;
	v16 =	vld.idx.msk [tilespmem:v10+s8+$0x0], $0xffff  }
0xee: {  	v17 =	vadd.s32 $0x1, v3;
	v18 =	vld.idx.msk [tilespmem:v11+s8+$0x0], $0xffff;
	[tilespmem:s22+$0x6470] =	vst v4  }
0xef: {  	v4 =	vadd.s32 $0x1, v9;
	[tilespmem:s22+$0x6410] =	vst v6;
	v6 =	vld.idx.msk [tilespmem:v12+s8+$0x0], $0xffff  }
0xf0: {  	[tilespmem:s22+$0x6400] =	vst v5;
	v5 =	vld.idx.msk [tilespmem:v7+s8+$0x0], $0xffff;
	v7 =	vadd.s32 $0x1, v10  }
0xf1: {  	[tilespmem:s22+$0x6420] =	vst v8;
	v8 =	vadd.s32 $0x1, v11;
	v13 =	vld.idx.msk [tilespmem:v13+s8+$0x0], $0xffff  }
0xf2: {  	v0 =	vadd.s32 $0x2, v0;
	[tilespmem:s22+$0x6430] =	vst v14;
	v15 =	vld.idx.msk [tilespmem:v15+s8+$0x0], $0xffff  }
0xf3: {  	v61 =	vadd.s32 $0x1, v12;
	[tilespmem:s22+$0x6440] =	vst v16;
	v17 =	vld.idx.msk [tilespmem:v17+s8+$0x0], $0xffff  }
0xf4: {  	v1 =	vadd.s32 $0x2, v1;
	[tilespmem:s22+$0x6450] =	vst v18;
	v62 =	vld.idx.msk [tilespmem:v4+s8+$0x0], $0xffff  }
0xf5: {  	v2 =	vadd.s32 $0x2, v2;
	[tilespmem:s22+$0x6460] =	vst v6;
	v63 =	vld.idx.msk [tilespmem:v7+s8+$0x0], $0xffff  }
0xf6: {  	v19 =	vadd.s32 $0x2, v3;
	[tilespmem:s22+$0x9670] =	vst v5;
	v5 =	vld.idx.msk [tilespmem:v8+s8+$0x0], $0xffff  }
0xf7: {  	v3 =	vadd.s32 $0x2, v9;
	[tilespmem:s22+$0x9600] =	vst v13;
	v7 =	vld.idx.msk [tilespmem:v0+s8+$0x0], $0xffff  }
0xf8: {  	[tilespmem:s22+$0x9610] =	vst v15;
	v8 =	vld.idx.msk [tilespmem:v61+s8+$0x0], $0xffff  }
0xf9: {  	[tilespmem:s22+$0x9620] =	vst v17;
	v4 =	vld.idx.msk [tilespmem:v1+s8+$0x0], $0xffff  }
0xfa: {  	v6 =	vld.idx.msk [tilespmem:v2+s8+$0x0], $0xffff;
	[tilespmem:s22+$0x9630] =	vst v62  }
0xfb: {  	s23 =	simm.s32 $0x0;
	s24 =	simm.s32 $0x200;
	v2 =	vadd.s32 $0x2, v10;
	v1 =	vadd.s32 $0x2, v11;
	v0 =	vadd.s32 $0x2, v12;
	v9 =	vld.idx.msk [tilespmem:v19+s8+$0x0], $0xffff;
	[tilespmem:s22+$0x9640] =	vst v63  }
.LBB2_6:
0xfc: {  	s25 =	sshra.s32 s24, $0x2;
	s23 =	sadd.s32 $0x8, s23;
	v3 =	vld.idx.msk [tilespmem:v3+s8+$0x0], $0xffff;
	[tilespmem:s22+$0xC870] =	vst v7  }
0xfd: {  	v7 =	vld [tilespmem:s25+$0x70];
	p0 =	slt.u32 s23, $0x318;
	[tilespmem:s22+$0x9650] =	vst v5  }
0xfe: {  	v5 =	vld [tilespmem:s25+$0x0];
	[tilespmem:s22+$0x9660] =	vst v8  }
0xff: {  	v8 =	vld [tilespmem:s25+$0x10];
	[tilespmem:s22+$0xC800] =	vst v4  }
0x100: {  	v4 =	vld [tilespmem:s25+$0x20];
	[tilespmem:s22+$0xC810] =	vst v6  }
0x101: {  	v6 =	vld [tilespmem:s25+$0x30];
	[tilespmem:s22+$0xC820] =	vst v9  }
0x102: {  	v9 =	vld [tilespmem:s25+$0x40];
	v7 =	vmul.u32 $0x3, v7;
	[tilespmem:s22+$0xC830] =	vst v3  }
0x103: {  	v5 =	vmul.u32 $0x3, v5;
	v10 =	vld [tilespmem:s25+$0x50]  }
0x104: {  	v8 =	vmul.u32 $0x3, v8;
	v11 =	vld [tilespmem:s25+$0x60]  }
0x105: {  	v12 =	vadd.s32 $0x1, v5;
	v13 =	vadd.s32 $0x2, v5;
	v4 =	vmul.u32 $0x3, v4;
	v14 =	vld.idx.msk [tilespmem:v2+s8+$0x0], $0xffff  }
0x106: {  	v15 =	vadd.s32 $0x1, v8;
	v16 =	vadd.s32 $0x2, v8;
	v6 =	vmul.u32 $0x3, v6;
	v17 =	vld.idx.msk [tilespmem:v1+s8+$0x0], $0xffff  }
0x107: {  	v18 =	vadd.s32 $0x1, v4;
	v19 =	vadd.s32 $0x2, v4;
	v9 =	vmul.u32 $0x3, v9;
	v20 =	vld.idx.msk [tilespmem:v0+s8+$0x0], $0xffff  }
0x108: {  	v21 =	vadd.s32 $0x1, v6;
	v3 =	vadd.s32 $0x2, v6;
	v10 =	vmul.u32 $0x3, v10;
	v22 =	vld.idx.msk [tilespmem:v7+s8+$0x0], $0xffff  }
0x109: {  	v5 =	vld.idx.msk [tilespmem:v5+s8+$0x0], $0xffff;
	v23 =	vadd.s32 $0x1, v9;
	v2 =	vadd.s32 $0x2, v9;
	v11 =	vmul.u32 $0x3, v11  }
0x10a: {  	v25 =	vadd.s32 $0x1, v7;
	v8 =	vld.idx.msk [tilespmem:v8+s8+$0x0], $0xffff;
	v24 =	vadd.s32 $0x1, v10;
	v1 =	vadd.s32 $0x2, v10  }
0x10b: {  	v4 =	vld.idx.msk [tilespmem:v4+s8+$0x0], $0xffff;
	v26 =	vadd.s32 $0x1, v11;
	v0 =	vadd.s32 $0x2, v11;
	[tilespmem:s22+$0xC840] =	vst v14  }
0x10c: {  	v6 =	vld.idx.msk [tilespmem:v6+s8+$0x0], $0xffff;
	[tilespmem:s22+$0xC850] =	vst v17  }
0x10d: {  	v9 =	vld.idx.msk [tilespmem:v9+s8+$0x0], $0xffff;
	[tilespmem:s22+$0xC860] =	vst v20;
	s22 =	smov.u32 s25  }
0x10e: {  	v10 =	vld.idx.msk [tilespmem:v10+s8+$0x0], $0xffff;
	[tilespmem:s22+$0x6470] =	vst v22  }
0x10f: {  	[tilespmem:s22+$0x6400] =	vst v5;
	v5 =	vld.idx.msk [tilespmem:v25+s8+$0x0], $0xffff  }
0x110: {  	[tilespmem:s22+$0x6410] =	vst v8;
	v8 =	vld.idx.msk [tilespmem:v11+s8+$0x0], $0xffff  }
0x111: {  	v11 =	vld.idx.msk [tilespmem:v12+s8+$0x0], $0xffff;
	[tilespmem:s22+$0x6420] =	vst v4;
	v4 =	vadd.s32 $0x2, v7  }
0x112: {  	v12 =	vld.idx.msk [tilespmem:v15+s8+$0x0], $0xffff;
	[tilespmem:s22+$0x6430] =	vst v6  }
0x113: {  	v6 =	vld.idx.msk [tilespmem:v18+s8+$0x0], $0xffff;
	[tilespmem:s22+$0x6440] =	vst v9  }
0x114: {  	v9 =	vld.idx.msk [tilespmem:v21+s8+$0x0], $0xffff;
	[tilespmem:s22+$0x6450] =	vst v10  }
0x115: {  	v10 =	vld.idx.msk [tilespmem:v23+s8+$0x0], $0xffff;
	[tilespmem:s22+$0x9670] =	vst v5  }
0x116: {  	[tilespmem:s22+$0x6460] =	vst v8;
	v7 =	vld.idx.msk [tilespmem:v4+s8+$0x0], $0xffff  }
.Ltmp2:
0x117: {  	[tilespmem:s22+$0x9600] =	vst v11;
	v5 =	vld.idx.msk [tilespmem:v24+s8+$0x0], $0xffff;
	(pc) =	sbr.rel @p0 .LBB2_6-.Ltmp2, $4  }
0x118: {  	[tilespmem:s22+$0x9610] =	vst v12;
	v8 =	vld.idx.msk [tilespmem:v26+s8+$0x0], $0xffff  }
0x119: {  	v4 =	vld.idx.msk [tilespmem:v13+s8+$0x0], $0xffff;
	[tilespmem:s22+$0x9620] =	vst v6  }
0x11a: {  	v6 =	vld.idx.msk [tilespmem:v16+s8+$0x0], $0xffff;
	[tilespmem:s22+$0x9630] =	vst v9  }
0x11b: {  	s24 =	sadd.s32 $0x200, s24;
	v9 =	vld.idx.msk [tilespmem:v19+s8+$0x0], $0xffff;
	[tilespmem:s22+$0x9640] =	vst v10  }
0x11c: {  	_ =	sdelay $0x2  }
0x11d: {  	[tilespmem:s22+$0xC870] =	vst v7  }
0x11e: {  	v3 =	vld.idx.msk [tilespmem:v3+s8+$0x0], $0xffff;
	[tilespmem:s22+$0x9650] =	vst v5  }
0x11f: {  	v2 =	vld.idx.msk [tilespmem:v2+s8+$0x0], $0xffff;
	[tilespmem:s22+$0x9660] =	vst v8  }
0x120: {  	v1 =	vld.idx.msk [tilespmem:v1+s8+$0x0], $0xffff;
	[tilespmem:s22+$0xC800] =	vst v4  }
0x121: {  	v0 =	vld.idx.msk [tilespmem:v0+s8+$0x0], $0xffff;
	[tilespmem:s22+$0xC810] =	vst v6  }
0x122: {  	[tilespmem:s22+$0xC820] =	vst v9  }
0x123: {  	[tilespmem:s22+$0xC830] =	vst v3  }
0x124: {  	[tilespmem:s22+$0xC840] =	vst v2  }
0x125: {  	[tilespmem:s22+$0xC850] =	vst v1  }
0x126: {  	[tilespmem:s22+$0xC860] =	vst v0  }
0x127: {  	s22 =	simm.s32 $0x0;
	s23 =	rddreg [dreg:$0xd]  }
0x128: {  	[hbm4b:s23+s22] =	stream.linear.scatter [tilespmem:s12], [sflag:$0x3], $0x3200, $0x38;
	[tilespmem:$0x19080] =	vst v63  }
0x129: {  	s24 =	rddreg [dreg:$0x17]  }
0x12a: {  	[hbm4b:s24+s22] =	stream.linear.scatter [tilespmem:s13], [sflag:$0x3], $0x3200, $0x38;
	[tilespmem:$0x19080] =	vst v63  }
0x12b: {  	_ = 	snop  }
0x12c: {  	[hbm4b:s26+s22] =	stream.linear.scatter [tilespmem:s14], [sflag:$0x3], $0x3200, $0x38;
	[tilespmem:$0x19080] =	vst v63  }
0x12d: {  	s25 =	rddreg [dreg:$0xe]  }
0x12e: {  	[tilespmem:s22], [sflag:$0x1] =	stream.linear.gather [hbm4b:s25+s22], $0x3200, $0x38;
	[tilespmem:$0x19080] =	vst v63  }
0x12f: {  	_ =	swait.ge [sflag:s15], $0x3200  }
0x130: {  	[sflag:s15] =	ssyncset.done $0x0  }
0x131: {  	[sflag:s15] =	ssyncadd.s32 $0xFFFFCE00  }
0x132: {  	_ =	swait.ge [sflag:s20], $0x3200  }
0x133: {  	[sflag:s20] =	ssyncset.done $0x0  }
0x134: {  	[sflag:s20] =	ssyncadd.s32 $0xFFFFCE00  }
0x135: {  	_ =	swait.ge [sflag:s20], $0x3200  }
0x136: {  	[sflag:s20] =	ssyncset.done $0x0  }
0x137: {  	[sflag:s20] =	ssyncadd.s32 $0xFFFFCE00  }
0x138: {  	_ =	swait.ge [sflag:s20], $0x3200  }
0x139: {  	[sflag:s20] =	ssyncset.done $0x0  }
0x13a: {  	s22 =	simm.s32 $0x0;
	[sflag:s20] =	ssyncadd.s32 $0xFFFFCE00  }
0x13b: {  	v0 =	vld [tilespmem:s22+$0x3270]  }
0x13c: {  	v1 =	vld [tilespmem:s22+$0x3200]  }
0x13d: {  	v2 =	vld [tilespmem:s22+$0x3210]  }
0x13e: {  	v3 =	vld [tilespmem:s22+$0x3220]  }
0x13f: {  	v4 =	vld [tilespmem:s22+$0x3230]  }
0x140: {  	v5 =	vld [tilespmem:s22+$0x3240];
	v0 =	vmul.u32 $0x3, v0  }
0x141: {  	v6 =	vld [tilespmem:s22+$0x3250];
	v1 =	vmul.u32 $0x3, v1  }
0x142: {  	v7 =	vld [tilespmem:s22+$0x3260];
	v2 =	vmul.u32 $0x3, v2  }
0x143: {  	v3 =	vmul.u32 $0x3, v3  }
0x144: {  	v9 =	vmul.u32 $0x3, v4  }
0x145: {  	v10 =	vmul.u32 $0x3, v5  }
0x146: {  	v11 =	vmul.u32 $0x3, v6;
	v4 =	vld.idx.msk [tilespmem:v0+s8+$0x0], $0xffff  }
0x147: {  	v12 =	vmul.u32 $0x3, v7;
	v5 =	vld.idx.msk [tilespmem:v1+s8+$0x0], $0xffff  }
0x148: {  	v6 =	vld.idx.msk [tilespmem:v2+s8+$0x0], $0xffff  }
0x149: {  	v7 =	vadd.s32 $0x1, v0;
	v8 =	vld.idx.msk [tilespmem:v3+s8+$0x0], $0xffff  }
0x14a: {  	v13 =	vadd.s32 $0x1, v1;
	v14 =	vld.idx.msk [tilespmem:v9+s8+$0x0], $0xffff  }
0x14b: {  	v15 =	vadd.s32 $0x1, v2;
	v16 =	vld.idx.msk [tilespmem:v10+s8+$0x0], $0xffff  }
0x14c: {  	v17 =	vadd.s32 $0x1, v3;
	v18 =	vld.idx.msk [tilespmem:v11+s8+$0x0], $0xffff;
	[tilespmem:s22+$0xFA70] =	vst v4  }
0x14d: {  	v4 =	vadd.s32 $0x1, v9;
	[tilespmem:s22+$0xFA10] =	vst v6;
	v6 =	vld.idx.msk [tilespmem:v12+s8+$0x0], $0xffff  }
0x14e: {  	[tilespmem:s22+$0xFA00] =	vst v5;
	v5 =	vld.idx.msk [tilespmem:v7+s8+$0x0], $0xffff;
	v7 =	vadd.s32 $0x1, v10  }
0x14f: {  	[tilespmem:s22+$0xFA20] =	vst v8;
	v8 =	vadd.s32 $0x1, v11;
	v13 =	vld.idx.msk [tilespmem:v13+s8+$0x0], $0xffff  }
0x150: {  	v0 =	vadd.s32 $0x2, v0;
	[tilespmem:s22+$0xFA30] =	vst v14;
	v15 =	vld.idx.msk [tilespmem:v15+s8+$0x0], $0xffff  }
0x151: {  	v61 =	vadd.s32 $0x1, v12;
	[tilespmem:s22+$0xFA40] =	vst v16;
	v17 =	vld.idx.msk [tilespmem:v17+s8+$0x0], $0xffff  }
0x152: {  	v1 =	vadd.s32 $0x2, v1;
	[tilespmem:s22+$0xFA50] =	vst v18;
	v62 =	vld.idx.msk [tilespmem:v4+s8+$0x0], $0xffff  }
0x153: {  	v2 =	vadd.s32 $0x2, v2;
	[tilespmem:s22+$0xFA60] =	vst v6;
	v63 =	vld.idx.msk [tilespmem:v7+s8+$0x0], $0xffff  }
0x154: {  	v19 =	vadd.s32 $0x2, v3;
	[tilespmem:s22+$0x12C70] =	vst v5;
	v5 =	vld.idx.msk [tilespmem:v8+s8+$0x0], $0xffff  }
0x155: {  	v3 =	vadd.s32 $0x2, v9;
	[tilespmem:s22+$0x12C00] =	vst v13;
	v7 =	vld.idx.msk [tilespmem:v0+s8+$0x0], $0xffff  }
0x156: {  	[tilespmem:s22+$0x12C10] =	vst v15;
	v8 =	vld.idx.msk [tilespmem:v61+s8+$0x0], $0xffff  }
0x157: {  	[tilespmem:s22+$0x12C20] =	vst v17;
	v4 =	vld.idx.msk [tilespmem:v1+s8+$0x0], $0xffff  }
0x158: {  	v6 =	vld.idx.msk [tilespmem:v2+s8+$0x0], $0xffff;
	[tilespmem:s22+$0x12C30] =	vst v62  }
0x159: {  	s23 =	simm.s32 $0x0;
	s24 =	simm.s32 $0x200;
	v2 =	vadd.s32 $0x2, v10;
	v1 =	vadd.s32 $0x2, v11;
	v0 =	vadd.s32 $0x2, v12;
	v9 =	vld.idx.msk [tilespmem:v19+s8+$0x0], $0xffff;
	[tilespmem:s22+$0x12C40] =	vst v63  }
.LBB2_8:
0x15a: {  	s25 =	sshra.s32 s24, $0x2;
	s23 =	sadd.s32 $0x8, s23;
	v3 =	vld.idx.msk [tilespmem:v3+s8+$0x0], $0xffff;
	[tilespmem:s22+$0x15E70] =	vst v7  }
0x15b: {  	v7 =	vld [tilespmem:s25+$0x3270];
	p0 =	slt.u32 s23, $0x318;
	[tilespmem:s22+$0x12C50] =	vst v5  }
0x15c: {  	v5 =	vld [tilespmem:s25+$0x3200];
	[tilespmem:s22+$0x12C60] =	vst v8  }
0x15d: {  	v8 =	vld [tilespmem:s25+$0x3210];
	[tilespmem:s22+$0x15E00] =	vst v4  }
0x15e: {  	v4 =	vld [tilespmem:s25+$0x3220];
	[tilespmem:s22+$0x15E10] =	vst v6  }
0x15f: {  	v6 =	vld [tilespmem:s25+$0x3230];
	[tilespmem:s22+$0x15E20] =	vst v9  }
0x160: {  	v9 =	vld [tilespmem:s25+$0x3240];
	v7 =	vmul.u32 $0x3, v7;
	[tilespmem:s22+$0x15E30] =	vst v3  }
0x161: {  	v5 =	vmul.u32 $0x3, v5;
	v10 =	vld [tilespmem:s25+$0x3250]  }
0x162: {  	v8 =	vmul.u32 $0x3, v8;
	v11 =	vld [tilespmem:s25+$0x3260]  }
0x163: {  	v12 =	vadd.s32 $0x1, v5;
	v13 =	vadd.s32 $0x2, v5;
	v4 =	vmul.u32 $0x3, v4;
	v14 =	vld.idx.msk [tilespmem:v2+s8+$0x0], $0xffff  }
0x164: {  	v15 =	vadd.s32 $0x1, v8;
	v16 =	vadd.s32 $0x2, v8;
	v6 =	vmul.u32 $0x3, v6;
	v17 =	vld.idx.msk [tilespmem:v1+s8+$0x0], $0xffff  }
0x165: {  	v18 =	vadd.s32 $0x1, v4;
	v19 =	vadd.s32 $0x2, v4;
	v9 =	vmul.u32 $0x3, v9;
	v20 =	vld.idx.msk [tilespmem:v0+s8+$0x0], $0xffff  }
0x166: {  	v21 =	vadd.s32 $0x1, v6;
	v3 =	vadd.s32 $0x2, v6;
	v10 =	vmul.u32 $0x3, v10;
	v22 =	vld.idx.msk [tilespmem:v7+s8+$0x0], $0xffff  }
0x167: {  	v5 =	vld.idx.msk [tilespmem:v5+s8+$0x0], $0xffff;
	v23 =	vadd.s32 $0x1, v9;
	v2 =	vadd.s32 $0x2, v9;
	v11 =	vmul.u32 $0x3, v11  }
0x168: {  	v25 =	vadd.s32 $0x1, v7;
	v8 =	vld.idx.msk [tilespmem:v8+s8+$0x0], $0xffff;
	v24 =	vadd.s32 $0x1, v10;
	v1 =	vadd.s32 $0x2, v10  }
0x169: {  	v4 =	vld.idx.msk [tilespmem:v4+s8+$0x0], $0xffff;
	v26 =	vadd.s32 $0x1, v11;
	v0 =	vadd.s32 $0x2, v11;
	[tilespmem:s22+$0x15E40] =	vst v14  }
0x16a: {  	v6 =	vld.idx.msk [tilespmem:v6+s8+$0x0], $0xffff;
	[tilespmem:s22+$0x15E50] =	vst v17  }
0x16b: {  	v9 =	vld.idx.msk [tilespmem:v9+s8+$0x0], $0xffff;
	[tilespmem:s22+$0x15E60] =	vst v20;
	s22 =	smov.u32 s25  }
0x16c: {  	v10 =	vld.idx.msk [tilespmem:v10+s8+$0x0], $0xffff;
	[tilespmem:s22+$0xFA70] =	vst v22  }
0x16d: {  	[tilespmem:s22+$0xFA00] =	vst v5;
	v5 =	vld.idx.msk [tilespmem:v25+s8+$0x0], $0xffff  }
0x16e: {  	[tilespmem:s22+$0xFA10] =	vst v8;
	v8 =	vld.idx.msk [tilespmem:v11+s8+$0x0], $0xffff  }
0x16f: {  	v11 =	vld.idx.msk [tilespmem:v12+s8+$0x0], $0xffff;
	[tilespmem:s22+$0xFA20] =	vst v4;
	v4 =	vadd.s32 $0x2, v7  }
0x170: {  	v12 =	vld.idx.msk [tilespmem:v15+s8+$0x0], $0xffff;
	[tilespmem:s22+$0xFA30] =	vst v6  }
0x171: {  	v6 =	vld.idx.msk [tilespmem:v18+s8+$0x0], $0xffff;
	[tilespmem:s22+$0xFA40] =	vst v9  }
0x172: {  	v9 =	vld.idx.msk [tilespmem:v21+s8+$0x0], $0xffff;
	[tilespmem:s22+$0xFA50] =	vst v10  }
0x173: {  	v10 =	vld.idx.msk [tilespmem:v23+s8+$0x0], $0xffff;
	[tilespmem:s22+$0x12C70] =	vst v5  }
0x174: {  	[tilespmem:s22+$0xFA60] =	vst v8;
	v7 =	vld.idx.msk [tilespmem:v4+s8+$0x0], $0xffff  }
.Ltmp3:
0x175: {  	[tilespmem:s22+$0x12C00] =	vst v11;
	v5 =	vld.idx.msk [tilespmem:v24+s8+$0x0], $0xffff;
	(pc) =	sbr.rel @p0 .LBB2_8-.Ltmp3, $4  }
0x176: {  	[tilespmem:s22+$0x12C10] =	vst v12;
	v8 =	vld.idx.msk [tilespmem:v26+s8+$0x0], $0xffff  }
0x177: {  	v4 =	vld.idx.msk [tilespmem:v13+s8+$0x0], $0xffff;
	[tilespmem:s22+$0x12C20] =	vst v6  }
0x178: {  	v6 =	vld.idx.msk [tilespmem:v16+s8+$0x0], $0xffff;
	[tilespmem:s22+$0x12C30] =	vst v9  }
0x179: {  	s24 =	sadd.s32 $0x200, s24;
	v9 =	vld.idx.msk [tilespmem:v19+s8+$0x0], $0xffff;
	[tilespmem:s22+$0x12C40] =	vst v10  }
0x17a: {  	_ =	sdelay $0x2  }
0x17b: {  	[tilespmem:s22+$0x15E70] =	vst v7  }
0x17c: {  	v3 =	vld.idx.msk [tilespmem:v3+s8+$0x0], $0xffff;
	[tilespmem:s22+$0x12C50] =	vst v5  }
0x17d: {  	v2 =	vld.idx.msk [tilespmem:v2+s8+$0x0], $0xffff;
	[tilespmem:s22+$0x12C60] =	vst v8  }
0x17e: {  	v1 =	vld.idx.msk [tilespmem:v1+s8+$0x0], $0xffff;
	[tilespmem:s22+$0x15E00] =	vst v4  }
0x17f: {  	v0 =	vld.idx.msk [tilespmem:v0+s8+$0x0], $0xffff;
	[tilespmem:s22+$0x15E10] =	vst v6  }
0x180: {  	[tilespmem:s22+$0x15E20] =	vst v9  }
0x181: {  	[tilespmem:s22+$0x15E30] =	vst v3  }
0x182: {  	[tilespmem:s22+$0x15E40] =	vst v2  }
0x183: {  	[tilespmem:s22+$0x15E50] =	vst v1  }
0x184: {  	[tilespmem:s22+$0x15E60] =	vst v0  }
0x185: {  	s24 =	simm.s32 $0x0;
	s23 =	rddreg [dreg:$0xf]  }
0x186: {  	[hbm4b:s23+s24] =	stream.linear.scatter [tilespmem:s16], [sflag:$0x4], $0x3200, $0x38;
	[tilespmem:$0x19080] =	vst v63  }
0x187: {  	_ = 	snop  }
0x188: {  	[hbm4b:s28+s24] =	stream.linear.scatter [tilespmem:s17], [sflag:$0x4], $0x3200, $0x38;
	[tilespmem:$0x19080] =	vst v63  }
0x189: {  	_ = 	snop  }
0x18a: {  	[hbm4b:s29+s24] =	stream.linear.scatter [tilespmem:s18], [sflag:$0x4], $0x3200, $0x38;
	[tilespmem:$0x19080] =	vst v63  }
0x18b: {  	s25 =	rddreg [dreg:$0x10]  }
0x18c: {  	[tilespmem:s10], [sflag:$0x2] =	stream.linear.gather [hbm4b:s25+s24], $0x3200, $0x38;
	[tilespmem:$0x19080] =	vst v63  }
0x18d: {  	_ =	swait.ge [sflag:s11], $0x3200  }
0x18e: {  	[sflag:s11] =	ssyncset.done $0x0  }
0x18f: {  	[sflag:s11] =	ssyncadd.s32 $0xFFFFCE00  }
0x190: {  	_ =	swait.ge [sflag:s19], $0x3200  }
0x191: {  	[sflag:s19] =	ssyncset.done $0x0  }
0x192: {  	[sflag:s19] =	ssyncadd.s32 $0xFFFFCE00  }
0x193: {  	_ =	swait.ge [sflag:s19], $0x3200  }
0x194: {  	[sflag:s19] =	ssyncset.done $0x0  }
0x195: {  	[sflag:s19] =	ssyncadd.s32 $0xFFFFCE00  }
0x196: {  	_ =	swait.ge [sflag:s19], $0x3200  }
0x197: {  	[sflag:s19] =	ssyncset.done $0x0  }
0x198: {  	s22 =	simm.s32 $0x0;
	[sflag:s19] =	ssyncadd.s32 $0xFFFFCE00  }
0x199: {  	v0 =	vld [tilespmem:s22+$0x70]  }
0x19a: {  	v1 =	vld [tilespmem:s22+$0x0]  }
0x19b: {  	v2 =	vld [tilespmem:s22+$0x10]  }
0x19c: {  	v3 =	vld [tilespmem:s22+$0x20]  }
0x19d: {  	v4 =	vld [tilespmem:s22+$0x30]  }
0x19e: {  	v5 =	vld [tilespmem:s22+$0x40];
	v0 =	vmul.u32 $0x3, v0  }
0x19f: {  	v6 =	vld [tilespmem:s22+$0x50];
	v1 =	vmul.u32 $0x3, v1  }
0x1a0: {  	v7 =	vld [tilespmem:s22+$0x60];
	v2 =	vmul.u32 $0x3, v2  }
0x1a1: {  	v3 =	vmul.u32 $0x3, v3  }
0x1a2: {  	v9 =	vmul.u32 $0x3, v4  }
0x1a3: {  	v10 =	vmul.u32 $0x3, v5  }
0x1a4: {  	v11 =	vmul.u32 $0x3, v6;
	v4 =	vld.idx.msk [tilespmem:v0+s8+$0x0], $0xffff  }
0x1a5: {  	v12 =	vmul.u32 $0x3, v7;
	v5 =	vld.idx.msk [tilespmem:v1+s8+$0x0], $0xffff  }
0x1a6: {  	v6 =	vld.idx.msk [tilespmem:v2+s8+$0x0], $0xffff  }
0x1a7: {  	v7 =	vadd.s32 $0x1, v0;
	v8 =	vld.idx.msk [tilespmem:v3+s8+$0x0], $0xffff  }
0x1a8: {  	v13 =	vadd.s32 $0x1, v1;
	v14 =	vld.idx.msk [tilespmem:v9+s8+$0x0], $0xffff  }
0x1a9: {  	v15 =	vadd.s32 $0x1, v2;
	v16 =	vld.idx.msk [tilespmem:v10+s8+$0x0], $0xffff  }
0x1aa: {  	v17 =	vadd.s32 $0x1, v3;
	v18 =	vld.idx.msk [tilespmem:v11+s8+$0x0], $0xffff;
	[tilespmem:s22+$0x6470] =	vst v4  }
0x1ab: {  	v4 =	vadd.s32 $0x1, v9;
	[tilespmem:s22+$0x6410] =	vst v6;
	v6 =	vld.idx.msk [tilespmem:v12+s8+$0x0], $0xffff  }
0x1ac: {  	[tilespmem:s22+$0x6400] =	vst v5;
	v5 =	vld.idx.msk [tilespmem:v7+s8+$0x0], $0xffff;
	v7 =	vadd.s32 $0x1, v10  }
0x1ad: {  	[tilespmem:s22+$0x6420] =	vst v8;
	v8 =	vadd.s32 $0x1, v11;
	v13 =	vld.idx.msk [tilespmem:v13+s8+$0x0], $0xffff  }
0x1ae: {  	v0 =	vadd.s32 $0x2, v0;
	[tilespmem:s22+$0x6430] =	vst v14;
	v15 =	vld.idx.msk [tilespmem:v15+s8+$0x0], $0xffff  }
0x1af: {  	v61 =	vadd.s32 $0x1, v12;
	[tilespmem:s22+$0x6440] =	vst v16;
	v17 =	vld.idx.msk [tilespmem:v17+s8+$0x0], $0xffff  }
0x1b0: {  	v1 =	vadd.s32 $0x2, v1;
	[tilespmem:s22+$0x6450] =	vst v18;
	v62 =	vld.idx.msk [tilespmem:v4+s8+$0x0], $0xffff  }
0x1b1: {  	v2 =	vadd.s32 $0x2, v2;
	[tilespmem:s22+$0x6460] =	vst v6;
	v63 =	vld.idx.msk [tilespmem:v7+s8+$0x0], $0xffff  }
0x1b2: {  	v19 =	vadd.s32 $0x2, v3;
	[tilespmem:s22+$0x9670] =	vst v5;
	v5 =	vld.idx.msk [tilespmem:v8+s8+$0x0], $0xffff  }
0x1b3: {  	v3 =	vadd.s32 $0x2, v9;
	[tilespmem:s22+$0x9600] =	vst v13;
	v7 =	vld.idx.msk [tilespmem:v0+s8+$0x0], $0xffff  }
0x1b4: {  	[tilespmem:s22+$0x9610] =	vst v15;
	v8 =	vld.idx.msk [tilespmem:v61+s8+$0x0], $0xffff  }
0x1b5: {  	[tilespmem:s22+$0x9620] =	vst v17;
	v4 =	vld.idx.msk [tilespmem:v1+s8+$0x0], $0xffff  }
0x1b6: {  	v6 =	vld.idx.msk [tilespmem:v2+s8+$0x0], $0xffff;
	[tilespmem:s22+$0x9630] =	vst v62  }
0x1b7: {  	s23 =	simm.s32 $0x0;
	s24 =	simm.s32 $0x200;
	v2 =	vadd.s32 $0x2, v10;
	v1 =	vadd.s32 $0x2, v11;
	v0 =	vadd.s32 $0x2, v12;
	v9 =	vld.idx.msk [tilespmem:v19+s8+$0x0], $0xffff;
	[tilespmem:s22+$0x9640] =	vst v63  }
.LBB2_10:
0x1b8: {  	s25 =	sshra.s32 s24, $0x2;
	s23 =	sadd.s32 $0x8, s23;
	v3 =	vld.idx.msk [tilespmem:v3+s8+$0x0], $0xffff;
	[tilespmem:s22+$0xC870] =	vst v7  }
0x1b9: {  	v7 =	vld [tilespmem:s25+$0x70];
	p0 =	slt.u32 s23, $0x318;
	[tilespmem:s22+$0x9650] =	vst v5  }
0x1ba: {  	v5 =	vld [tilespmem:s25+$0x0];
	[tilespmem:s22+$0x9660] =	vst v8  }
0x1bb: {  	v8 =	vld [tilespmem:s25+$0x10];
	[tilespmem:s22+$0xC800] =	vst v4  }
0x1bc: {  	v4 =	vld [tilespmem:s25+$0x20];
	[tilespmem:s22+$0xC810] =	vst v6  }
0x1bd: {  	v6 =	vld [tilespmem:s25+$0x30];
	[tilespmem:s22+$0xC820] =	vst v9  }
0x1be: {  	v9 =	vld [tilespmem:s25+$0x40];
	v7 =	vmul.u32 $0x3, v7;
	[tilespmem:s22+$0xC830] =	vst v3  }
0x1bf: {  	v5 =	vmul.u32 $0x3, v5;
	v10 =	vld [tilespmem:s25+$0x50]  }
0x1c0: {  	v8 =	vmul.u32 $0x3, v8;
	v11 =	vld [tilespmem:s25+$0x60]  }
0x1c1: {  	v12 =	vadd.s32 $0x1, v5;
	v13 =	vadd.s32 $0x2, v5;
	v4 =	vmul.u32 $0x3, v4;
	v14 =	vld.idx.msk [tilespmem:v2+s8+$0x0], $0xffff  }
0x1c2: {  	v15 =	vadd.s32 $0x1, v8;
	v16 =	vadd.s32 $0x2, v8;
	v6 =	vmul.u32 $0x3, v6;
	v17 =	vld.idx.msk [tilespmem:v1+s8+$0x0], $0xffff  }
0x1c3: {  	v18 =	vadd.s32 $0x1, v4;
	v19 =	vadd.s32 $0x2, v4;
	v9 =	vmul.u32 $0x3, v9;
	v20 =	vld.idx.msk [tilespmem:v0+s8+$0x0], $0xffff  }
0x1c4: {  	v21 =	vadd.s32 $0x1, v6;
	v3 =	vadd.s32 $0x2, v6;
	v10 =	vmul.u32 $0x3, v10;
	v22 =	vld.idx.msk [tilespmem:v7+s8+$0x0], $0xffff  }
0x1c5: {  	v5 =	vld.idx.msk [tilespmem:v5+s8+$0x0], $0xffff;
	v23 =	vadd.s32 $0x1, v9;
	v2 =	vadd.s32 $0x2, v9;
	v11 =	vmul.u32 $0x3, v11  }
0x1c6: {  	v25 =	vadd.s32 $0x1, v7;
	v8 =	vld.idx.msk [tilespmem:v8+s8+$0x0], $0xffff;
	v24 =	vadd.s32 $0x1, v10;
	v1 =	vadd.s32 $0x2, v10  }
0x1c7: {  	v4 =	vld.idx.msk [tilespmem:v4+s8+$0x0], $0xffff;
	v26 =	vadd.s32 $0x1, v11;
	v0 =	vadd.s32 $0x2, v11;
	[tilespmem:s22+$0xC840] =	vst v14  }
0x1c8: {  	v6 =	vld.idx.msk [tilespmem:v6+s8+$0x0], $0xffff;
	[tilespmem:s22+$0xC850] =	vst v17  }
0x1c9: {  	v9 =	vld.idx.msk [tilespmem:v9+s8+$0x0], $0xffff;
	[tilespmem:s22+$0xC860] =	vst v20;
	s22 =	smov.u32 s25  }
0x1ca: {  	v10 =	vld.idx.msk [tilespmem:v10+s8+$0x0], $0xffff;
	[tilespmem:s22+$0x6470] =	vst v22  }
0x1cb: {  	[tilespmem:s22+$0x6400] =	vst v5;
	v5 =	vld.idx.msk [tilespmem:v25+s8+$0x0], $0xffff  }
0x1cc: {  	[tilespmem:s22+$0x6410] =	vst v8;
	v8 =	vld.idx.msk [tilespmem:v11+s8+$0x0], $0xffff  }
0x1cd: {  	v11 =	vld.idx.msk [tilespmem:v12+s8+$0x0], $0xffff;
	[tilespmem:s22+$0x6420] =	vst v4;
	v4 =	vadd.s32 $0x2, v7  }
0x1ce: {  	v12 =	vld.idx.msk [tilespmem:v15+s8+$0x0], $0xffff;
	[tilespmem:s22+$0x6430] =	vst v6  }
0x1cf: {  	v6 =	vld.idx.msk [tilespmem:v18+s8+$0x0], $0xffff;
	[tilespmem:s22+$0x6440] =	vst v9  }
0x1d0: {  	v9 =	vld.idx.msk [tilespmem:v21+s8+$0x0], $0xffff;
	[tilespmem:s22+$0x6450] =	vst v10  }
0x1d1: {  	v10 =	vld.idx.msk [tilespmem:v23+s8+$0x0], $0xffff;
	[tilespmem:s22+$0x9670] =	vst v5  }
0x1d2: {  	[tilespmem:s22+$0x6460] =	vst v8;
	v7 =	vld.idx.msk [tilespmem:v4+s8+$0x0], $0xffff  }
.Ltmp4:
0x1d3: {  	[tilespmem:s22+$0x9600] =	vst v11;
	v5 =	vld.idx.msk [tilespmem:v24+s8+$0x0], $0xffff;
	(pc) =	sbr.rel @p0 .LBB2_10-.Ltmp4, $4  }
0x1d4: {  	[tilespmem:s22+$0x9610] =	vst v12;
	v8 =	vld.idx.msk [tilespmem:v26+s8+$0x0], $0xffff  }
0x1d5: {  	v4 =	vld.idx.msk [tilespmem:v13+s8+$0x0], $0xffff;
	[tilespmem:s22+$0x9620] =	vst v6  }
0x1d6: {  	v6 =	vld.idx.msk [tilespmem:v16+s8+$0x0], $0xffff;
	[tilespmem:s22+$0x9630] =	vst v9  }
0x1d7: {  	s24 =	sadd.s32 $0x200, s24;
	v9 =	vld.idx.msk [tilespmem:v19+s8+$0x0], $0xffff;
	[tilespmem:s22+$0x9640] =	vst v10  }
0x1d8: {  	_ =	sdelay $0x2  }
0x1d9: {  	[tilespmem:s22+$0xC870] =	vst v7  }
0x1da: {  	v3 =	vld.idx.msk [tilespmem:v3+s8+$0x0], $0xffff;
	[tilespmem:s22+$0x9650] =	vst v5  }
0x1db: {  	v2 =	vld.idx.msk [tilespmem:v2+s8+$0x0], $0xffff;
	[tilespmem:s22+$0x9660] =	vst v8  }
0x1dc: {  	v1 =	vld.idx.msk [tilespmem:v1+s8+$0x0], $0xffff;
	[tilespmem:s22+$0xC800] =	vst v4  }
0x1dd: {  	v0 =	vld.idx.msk [tilespmem:v0+s8+$0x0], $0xffff;
	[tilespmem:s22+$0xC810] =	vst v6  }
0x1de: {  	[tilespmem:s22+$0xC820] =	vst v9  }
0x1df: {  	[tilespmem:s22+$0xC830] =	vst v3  }
0x1e0: {  	[tilespmem:s22+$0xC840] =	vst v2  }
0x1e1: {  	[tilespmem:s22+$0xC850] =	vst v1  }
0x1e2: {  	[tilespmem:s22+$0xC860] =	vst v0  }
0x1e3: {  	s24 =	simm.s32 $0x0;
	s23 =	rddreg [dreg:$0x11]  }
0x1e4: {  	[hbm4b:s23+s24] =	stream.linear.scatter [tilespmem:s12], [sflag:$0x3], $0x3200, $0x38;
	[tilespmem:$0x19080] =	vst v63  }
0x1e5: {  	_ = 	snop  }
0x1e6: {  	[hbm4b:s30+s24] =	stream.linear.scatter [tilespmem:s13], [sflag:$0x3], $0x3200, $0x38;
	[tilespmem:$0x19080] =	vst v63  }
0x1e7: {  	_ = 	snop  }
0x1e8: {  	[hbm4b:s31+s24] =	stream.linear.scatter [tilespmem:s14], [sflag:$0x3], $0x3200, $0x38;
	[tilespmem:$0x19080] =	vst v63  }
0x1e9: {  	s25 =	rddreg [dreg:$0x12]  }
0x1ea: {  	[tilespmem:s24], [sflag:$0x1] =	stream.linear.gather [hbm4b:s25+s24], $0x3200, $0x38;
	[tilespmem:$0x19080] =	vst v63  }
0x1eb: {  	_ =	swait.ge [sflag:s15], $0x3200  }
0x1ec: {  	[sflag:s15] =	ssyncset.done $0x0  }
0x1ed: {  	[sflag:s15] =	ssyncadd.s32 $0xFFFFCE00  }
0x1ee: {  	_ =	swait.ge [sflag:s20], $0x3200  }
0x1ef: {  	[sflag:s20] =	ssyncset.done $0x0  }
0x1f0: {  	[sflag:s20] =	ssyncadd.s32 $0xFFFFCE00  }
0x1f1: {  	_ =	swait.ge [sflag:s20], $0x3200  }
0x1f2: {  	[sflag:s20] =	ssyncset.done $0x0  }
0x1f3: {  	[sflag:s20] =	ssyncadd.s32 $0xFFFFCE00  }
0x1f4: {  	_ =	swait.ge [sflag:s20], $0x3200  }
0x1f5: {  	[sflag:s20] =	ssyncset.done $0x0  }
0x1f6: {  	s22 =	simm.s32 $0x0;
	[sflag:s20] =	ssyncadd.s32 $0xFFFFCE00  }
0x1f7: {  	v0 =	vld [tilespmem:s22+$0x3270]  }
0x1f8: {  	v1 =	vld [tilespmem:s22+$0x3200]  }
0x1f9: {  	v2 =	vld [tilespmem:s22+$0x3210]  }
0x1fa: {  	v3 =	vld [tilespmem:s22+$0x3220]  }
0x1fb: {  	v4 =	vld [tilespmem:s22+$0x3230]  }
0x1fc: {  	v5 =	vld [tilespmem:s22+$0x3240];
	v0 =	vmul.u32 $0x3, v0  }
0x1fd: {  	v6 =	vld [tilespmem:s22+$0x3250];
	v1 =	vmul.u32 $0x3, v1  }
0x1fe: {  	v7 =	vld [tilespmem:s22+$0x3260];
	v2 =	vmul.u32 $0x3, v2  }
0x1ff: {  	v3 =	vmul.u32 $0x3, v3  }
0x200: {  	v9 =	vmul.u32 $0x3, v4  }
0x201: {  	v10 =	vmul.u32 $0x3, v5  }
0x202: {  	v11 =	vmul.u32 $0x3, v6;
	v4 =	vld.idx.msk [tilespmem:v0+s8+$0x0], $0xffff  }
0x203: {  	v12 =	vmul.u32 $0x3, v7;
	v5 =	vld.idx.msk [tilespmem:v1+s8+$0x0], $0xffff  }
0x204: {  	v6 =	vld.idx.msk [tilespmem:v2+s8+$0x0], $0xffff  }
0x205: {  	v7 =	vadd.s32 $0x1, v0;
	v8 =	vld.idx.msk [tilespmem:v3+s8+$0x0], $0xffff  }
0x206: {  	v13 =	vadd.s32 $0x1, v1;
	v14 =	vld.idx.msk [tilespmem:v9+s8+$0x0], $0xffff  }
0x207: {  	v15 =	vadd.s32 $0x1, v2;
	v16 =	vld.idx.msk [tilespmem:v10+s8+$0x0], $0xffff  }
0x208: {  	v17 =	vadd.s32 $0x1, v3;
	v18 =	vld.idx.msk [tilespmem:v11+s8+$0x0], $0xffff;
	[tilespmem:s22+$0xFA70] =	vst v4  }
0x209: {  	v4 =	vadd.s32 $0x1, v9;
	[tilespmem:s22+$0xFA10] =	vst v6;
	v6 =	vld.idx.msk [tilespmem:v12+s8+$0x0], $0xffff  }
0x20a: {  	[tilespmem:s22+$0xFA00] =	vst v5;
	v5 =	vld.idx.msk [tilespmem:v7+s8+$0x0], $0xffff;
	v7 =	vadd.s32 $0x1, v10  }
0x20b: {  	[tilespmem:s22+$0xFA20] =	vst v8;
	v8 =	vadd.s32 $0x1, v11;
	v13 =	vld.idx.msk [tilespmem:v13+s8+$0x0], $0xffff  }
0x20c: {  	v0 =	vadd.s32 $0x2, v0;
	[tilespmem:s22+$0xFA30] =	vst v14;
	v15 =	vld.idx.msk [tilespmem:v15+s8+$0x0], $0xffff  }
0x20d: {  	v61 =	vadd.s32 $0x1, v12;
	[tilespmem:s22+$0xFA40] =	vst v16;
	v17 =	vld.idx.msk [tilespmem:v17+s8+$0x0], $0xffff  }
0x20e: {  	v1 =	vadd.s32 $0x2, v1;
	[tilespmem:s22+$0xFA50] =	vst v18;
	v62 =	vld.idx.msk [tilespmem:v4+s8+$0x0], $0xffff  }
0x20f: {  	v2 =	vadd.s32 $0x2, v2;
	[tilespmem:s22+$0xFA60] =	vst v6;
	v63 =	vld.idx.msk [tilespmem:v7+s8+$0x0], $0xffff  }
0x210: {  	v19 =	vadd.s32 $0x2, v3;
	[tilespmem:s22+$0x12C70] =	vst v5;
	v5 =	vld.idx.msk [tilespmem:v8+s8+$0x0], $0xffff  }
0x211: {  	v3 =	vadd.s32 $0x2, v9;
	[tilespmem:s22+$0x12C00] =	vst v13;
	v7 =	vld.idx.msk [tilespmem:v0+s8+$0x0], $0xffff  }
0x212: {  	[tilespmem:s22+$0x12C10] =	vst v15;
	v8 =	vld.idx.msk [tilespmem:v61+s8+$0x0], $0xffff  }
0x213: {  	[tilespmem:s22+$0x12C20] =	vst v17;
	v4 =	vld.idx.msk [tilespmem:v1+s8+$0x0], $0xffff  }
0x214: {  	v6 =	vld.idx.msk [tilespmem:v2+s8+$0x0], $0xffff;
	[tilespmem:s22+$0x12C30] =	vst v62  }
0x215: {  	s23 =	simm.s32 $0x0;
	s24 =	simm.s32 $0x200;
	v2 =	vadd.s32 $0x2, v10;
	v1 =	vadd.s32 $0x2, v11;
	v0 =	vadd.s32 $0x2, v12;
	v9 =	vld.idx.msk [tilespmem:v19+s8+$0x0], $0xffff;
	[tilespmem:s22+$0x12C40] =	vst v63  }
.LBB2_12:
0x216: {  	s25 =	sshra.s32 s24, $0x2;
	s23 =	sadd.s32 $0x8, s23;
	v3 =	vld.idx.msk [tilespmem:v3+s8+$0x0], $0xffff;
	[tilespmem:s22+$0x15E70] =	vst v7  }
0x217: {  	v7 =	vld [tilespmem:s25+$0x3270];
	p0 =	slt.u32 s23, $0x318;
	[tilespmem:s22+$0x12C50] =	vst v5  }
0x218: {  	v5 =	vld [tilespmem:s25+$0x3200];
	[tilespmem:s22+$0x12C60] =	vst v8  }
0x219: {  	v8 =	vld [tilespmem:s25+$0x3210];
	[tilespmem:s22+$0x15E00] =	vst v4  }
0x21a: {  	v4 =	vld [tilespmem:s25+$0x3220];
	[tilespmem:s22+$0x15E10] =	vst v6  }
0x21b: {  	v6 =	vld [tilespmem:s25+$0x3230];
	[tilespmem:s22+$0x15E20] =	vst v9  }
0x21c: {  	v9 =	vld [tilespmem:s25+$0x3240];
	v7 =	vmul.u32 $0x3, v7;
	[tilespmem:s22+$0x15E30] =	vst v3  }
0x21d: {  	v5 =	vmul.u32 $0x3, v5;
	v10 =	vld [tilespmem:s25+$0x3250]  }
0x21e: {  	v8 =	vmul.u32 $0x3, v8;
	v11 =	vld [tilespmem:s25+$0x3260]  }
0x21f: {  	v12 =	vadd.s32 $0x1, v5;
	v13 =	vadd.s32 $0x2, v5;
	v4 =	vmul.u32 $0x3, v4;
	v14 =	vld.idx.msk [tilespmem:v2+s8+$0x0], $0xffff  }
0x220: {  	v15 =	vadd.s32 $0x1, v8;
	v16 =	vadd.s32 $0x2, v8;
	v6 =	vmul.u32 $0x3, v6;
	v17 =	vld.idx.msk [tilespmem:v1+s8+$0x0], $0xffff  }
0x221: {  	v18 =	vadd.s32 $0x1, v4;
	v19 =	vadd.s32 $0x2, v4;
	v9 =	vmul.u32 $0x3, v9;
	v20 =	vld.idx.msk [tilespmem:v0+s8+$0x0], $0xffff  }
0x222: {  	v21 =	vadd.s32 $0x1, v6;
	v3 =	vadd.s32 $0x2, v6;
	v10 =	vmul.u32 $0x3, v10;
	v22 =	vld.idx.msk [tilespmem:v7+s8+$0x0], $0xffff  }
0x223: {  	v5 =	vld.idx.msk [tilespmem:v5+s8+$0x0], $0xffff;
	v23 =	vadd.s32 $0x1, v9;
	v2 =	vadd.s32 $0x2, v9;
	v11 =	vmul.u32 $0x3, v11  }
0x224: {  	v25 =	vadd.s32 $0x1, v7;
	v8 =	vld.idx.msk [tilespmem:v8+s8+$0x0], $0xffff;
	v24 =	vadd.s32 $0x1, v10;
	v1 =	vadd.s32 $0x2, v10  }
0x225: {  	v4 =	vld.idx.msk [tilespmem:v4+s8+$0x0], $0xffff;
	v26 =	vadd.s32 $0x1, v11;
	v0 =	vadd.s32 $0x2, v11;
	[tilespmem:s22+$0x15E40] =	vst v14  }
0x226: {  	v6 =	vld.idx.msk [tilespmem:v6+s8+$0x0], $0xffff;
	[tilespmem:s22+$0x15E50] =	vst v17  }
0x227: {  	v9 =	vld.idx.msk [tilespmem:v9+s8+$0x0], $0xffff;
	[tilespmem:s22+$0x15E60] =	vst v20;
	s22 =	smov.u32 s25  }
0x228: {  	v10 =	vld.idx.msk [tilespmem:v10+s8+$0x0], $0xffff;
	[tilespmem:s22+$0xFA70] =	vst v22  }
0x229: {  	[tilespmem:s22+$0xFA00] =	vst v5;
	v5 =	vld.idx.msk [tilespmem:v25+s8+$0x0], $0xffff  }
0x22a: {  	[tilespmem:s22+$0xFA10] =	vst v8;
	v8 =	vld.idx.msk [tilespmem:v11+s8+$0x0], $0xffff  }
0x22b: {  	v11 =	vld.idx.msk [tilespmem:v12+s8+$0x0], $0xffff;
	[tilespmem:s22+$0xFA20] =	vst v4;
	v4 =	vadd.s32 $0x2, v7  }
0x22c: {  	v12 =	vld.idx.msk [tilespmem:v15+s8+$0x0], $0xffff;
	[tilespmem:s22+$0xFA30] =	vst v6  }
0x22d: {  	v6 =	vld.idx.msk [tilespmem:v18+s8+$0x0], $0xffff;
	[tilespmem:s22+$0xFA40] =	vst v9  }
0x22e: {  	v9 =	vld.idx.msk [tilespmem:v21+s8+$0x0], $0xffff;
	[tilespmem:s22+$0xFA50] =	vst v10  }
0x22f: {  	v10 =	vld.idx.msk [tilespmem:v23+s8+$0x0], $0xffff;
	[tilespmem:s22+$0x12C70] =	vst v5  }
0x230: {  	[tilespmem:s22+$0xFA60] =	vst v8;
	v7 =	vld.idx.msk [tilespmem:v4+s8+$0x0], $0xffff  }
.Ltmp5:
0x231: {  	[tilespmem:s22+$0x12C00] =	vst v11;
	v5 =	vld.idx.msk [tilespmem:v24+s8+$0x0], $0xffff;
	(pc) =	sbr.rel @p0 .LBB2_12-.Ltmp5, $4  }
0x232: {  	[tilespmem:s22+$0x12C10] =	vst v12;
	v8 =	vld.idx.msk [tilespmem:v26+s8+$0x0], $0xffff  }
0x233: {  	v4 =	vld.idx.msk [tilespmem:v13+s8+$0x0], $0xffff;
	[tilespmem:s22+$0x12C20] =	vst v6  }
0x234: {  	v6 =	vld.idx.msk [tilespmem:v16+s8+$0x0], $0xffff;
	[tilespmem:s22+$0x12C30] =	vst v9  }
0x235: {  	s24 =	sadd.s32 $0x200, s24;
	v9 =	vld.idx.msk [tilespmem:v19+s8+$0x0], $0xffff;
	[tilespmem:s22+$0x12C40] =	vst v10  }
0x236: {  	_ =	sdelay $0x2  }
0x237: {  	[tilespmem:s22+$0x15E70] =	vst v7  }
0x238: {  	v3 =	vld.idx.msk [tilespmem:v3+s8+$0x0], $0xffff;
	[tilespmem:s22+$0x12C50] =	vst v5  }
0x239: {  	v2 =	vld.idx.msk [tilespmem:v2+s8+$0x0], $0xffff;
	[tilespmem:s22+$0x12C60] =	vst v8  }
0x23a: {  	v1 =	vld.idx.msk [tilespmem:v1+s8+$0x0], $0xffff;
	[tilespmem:s22+$0x15E00] =	vst v4  }
0x23b: {  	v0 =	vld.idx.msk [tilespmem:v0+s8+$0x0], $0xffff;
	[tilespmem:s22+$0x15E10] =	vst v6  }
0x23c: {  	[tilespmem:s22+$0x15E20] =	vst v9  }
0x23d: {  	[tilespmem:s22+$0x15E30] =	vst v3  }
0x23e: {  	[tilespmem:s22+$0x15E40] =	vst v2  }
0x23f: {  	[tilespmem:s22+$0x15E50] =	vst v1  }
0x240: {  	[tilespmem:s22+$0x15E60] =	vst v0  }
0x241: {  	s24 =	simm.s32 $0x0;
	s23 =	rddreg [dreg:$0x13]  }
0x242: {  	[hbm4b:s23+s24] =	stream.linear.scatter [tilespmem:s16], [sflag:$0x4], $0x3200, $0x38;
	[tilespmem:$0x19080] =	vst v63  }
0x243: {  	_ = 	snop  }
0x244: {  	[hbm4b:s1+s24] =	stream.linear.scatter [tilespmem:s17], [sflag:$0x4], $0x3200, $0x38;
	[tilespmem:$0x19080] =	vst v63  }
0x245: {  	_ = 	snop  }
0x246: {  	[hbm4b:s0+s24] =	stream.linear.scatter [tilespmem:s18], [sflag:$0x4], $0x3200, $0x38;
	[tilespmem:$0x19080] =	vst v63  }
0x247: {  	s25 =	rddreg [dreg:$0x14]  }
0x248: {  	[tilespmem:s10], [sflag:$0x2] =	stream.linear.gather [hbm4b:s25+s24], $0x3200, $0x38;
	[tilespmem:$0x19080] =	vst v63  }
0x249: {  	_ =	swait.ge [sflag:s11], $0x3200  }
0x24a: {  	[sflag:s11] =	ssyncset.done $0x0  }
0x24b: {  	[sflag:s11] =	ssyncadd.s32 $0xFFFFCE00  }
0x24c: {  	_ =	swait.ge [sflag:s19], $0x3200  }
0x24d: {  	[sflag:s19] =	ssyncset.done $0x0  }
0x24e: {  	[sflag:s19] =	ssyncadd.s32 $0xFFFFCE00  }
0x24f: {  	_ =	swait.ge [sflag:s19], $0x3200  }
0x250: {  	[sflag:s19] =	ssyncset.done $0x0  }
0x251: {  	[sflag:s19] =	ssyncadd.s32 $0xFFFFCE00  }
0x252: {  	_ =	swait.ge [sflag:s19], $0x3200  }
0x253: {  	[sflag:s19] =	ssyncset.done $0x0  }
0x254: {  	s22 =	simm.s32 $0x0;
	[sflag:s19] =	ssyncadd.s32 $0xFFFFCE00  }
0x255: {  	v0 =	vld [tilespmem:s22+$0x70]  }
0x256: {  	v1 =	vld [tilespmem:s22+$0x0]  }
0x257: {  	v2 =	vld [tilespmem:s22+$0x10]  }
0x258: {  	v3 =	vld [tilespmem:s22+$0x20]  }
0x259: {  	v4 =	vld [tilespmem:s22+$0x30]  }
0x25a: {  	v5 =	vld [tilespmem:s22+$0x40];
	v0 =	vmul.u32 $0x3, v0  }
0x25b: {  	v6 =	vld [tilespmem:s22+$0x50];
	v1 =	vmul.u32 $0x3, v1  }
0x25c: {  	v7 =	vld [tilespmem:s22+$0x60];
	v2 =	vmul.u32 $0x3, v2  }
0x25d: {  	v3 =	vmul.u32 $0x3, v3  }
0x25e: {  	v9 =	vmul.u32 $0x3, v4  }
0x25f: {  	v10 =	vmul.u32 $0x3, v5  }
0x260: {  	v11 =	vmul.u32 $0x3, v6;
	v4 =	vld.idx.msk [tilespmem:v0+s8+$0x0], $0xffff  }
0x261: {  	v12 =	vmul.u32 $0x3, v7;
	v5 =	vld.idx.msk [tilespmem:v1+s8+$0x0], $0xffff  }
0x262: {  	v6 =	vld.idx.msk [tilespmem:v2+s8+$0x0], $0xffff  }
0x263: {  	v7 =	vadd.s32 $0x1, v0;
	v8 =	vld.idx.msk [tilespmem:v3+s8+$0x0], $0xffff  }
0x264: {  	v13 =	vadd.s32 $0x1, v1;
	v14 =	vld.idx.msk [tilespmem:v9+s8+$0x0], $0xffff  }
0x265: {  	v15 =	vadd.s32 $0x1, v2;
	v16 =	vld.idx.msk [tilespmem:v10+s8+$0x0], $0xffff  }
0x266: {  	v17 =	vadd.s32 $0x1, v3;
	v18 =	vld.idx.msk [tilespmem:v11+s8+$0x0], $0xffff;
	[tilespmem:s22+$0x6470] =	vst v4  }
0x267: {  	v4 =	vadd.s32 $0x1, v9;
	[tilespmem:s22+$0x6410] =	vst v6;
	v6 =	vld.idx.msk [tilespmem:v12+s8+$0x0], $0xffff  }
0x268: {  	[tilespmem:s22+$0x6400] =	vst v5;
	v5 =	vld.idx.msk [tilespmem:v7+s8+$0x0], $0xffff;
	v7 =	vadd.s32 $0x1, v10  }
0x269: {  	[tilespmem:s22+$0x6420] =	vst v8;
	v8 =	vadd.s32 $0x1, v11;
	v13 =	vld.idx.msk [tilespmem:v13+s8+$0x0], $0xffff  }
0x26a: {  	v0 =	vadd.s32 $0x2, v0;
	[tilespmem:s22+$0x6430] =	vst v14;
	v15 =	vld.idx.msk [tilespmem:v15+s8+$0x0], $0xffff  }
0x26b: {  	v61 =	vadd.s32 $0x1, v12;
	[tilespmem:s22+$0x6440] =	vst v16;
	v17 =	vld.idx.msk [tilespmem:v17+s8+$0x0], $0xffff  }
0x26c: {  	v1 =	vadd.s32 $0x2, v1;
	[tilespmem:s22+$0x6450] =	vst v18;
	v62 =	vld.idx.msk [tilespmem:v4+s8+$0x0], $0xffff  }
0x26d: {  	v2 =	vadd.s32 $0x2, v2;
	[tilespmem:s22+$0x6460] =	vst v6;
	v63 =	vld.idx.msk [tilespmem:v7+s8+$0x0], $0xffff  }
0x26e: {  	v19 =	vadd.s32 $0x2, v3;
	[tilespmem:s22+$0x9670] =	vst v5;
	v5 =	vld.idx.msk [tilespmem:v8+s8+$0x0], $0xffff  }
0x26f: {  	v3 =	vadd.s32 $0x2, v9;
	[tilespmem:s22+$0x9600] =	vst v13;
	v7 =	vld.idx.msk [tilespmem:v0+s8+$0x0], $0xffff  }
0x270: {  	[tilespmem:s22+$0x9610] =	vst v15;
	v8 =	vld.idx.msk [tilespmem:v61+s8+$0x0], $0xffff  }
0x271: {  	[tilespmem:s22+$0x9620] =	vst v17;
	v4 =	vld.idx.msk [tilespmem:v1+s8+$0x0], $0xffff  }
0x272: {  	v6 =	vld.idx.msk [tilespmem:v2+s8+$0x0], $0xffff;
	[tilespmem:s22+$0x9630] =	vst v62  }
0x273: {  	s23 =	simm.s32 $0x0;
	s24 =	simm.s32 $0x200;
	v2 =	vadd.s32 $0x2, v10;
	v1 =	vadd.s32 $0x2, v11;
	v0 =	vadd.s32 $0x2, v12;
	v9 =	vld.idx.msk [tilespmem:v19+s8+$0x0], $0xffff;
	[tilespmem:s22+$0x9640] =	vst v63  }
.LBB2_14:
0x274: {  	s25 =	sshra.s32 s24, $0x2;
	s23 =	sadd.s32 $0x8, s23;
	v3 =	vld.idx.msk [tilespmem:v3+s8+$0x0], $0xffff;
	[tilespmem:s22+$0xC870] =	vst v7  }
0x275: {  	v7 =	vld [tilespmem:s25+$0x70];
	p0 =	slt.u32 s23, $0x318;
	[tilespmem:s22+$0x9650] =	vst v5  }
0x276: {  	v5 =	vld [tilespmem:s25+$0x0];
	[tilespmem:s22+$0x9660] =	vst v8  }
0x277: {  	v8 =	vld [tilespmem:s25+$0x10];
	[tilespmem:s22+$0xC800] =	vst v4  }
0x278: {  	v4 =	vld [tilespmem:s25+$0x20];
	[tilespmem:s22+$0xC810] =	vst v6  }
0x279: {  	v6 =	vld [tilespmem:s25+$0x30];
	[tilespmem:s22+$0xC820] =	vst v9  }
0x27a: {  	v9 =	vld [tilespmem:s25+$0x40];
	v7 =	vmul.u32 $0x3, v7;
	[tilespmem:s22+$0xC830] =	vst v3  }
0x27b: {  	v5 =	vmul.u32 $0x3, v5;
	v10 =	vld [tilespmem:s25+$0x50]  }
0x27c: {  	v8 =	vmul.u32 $0x3, v8;
	v11 =	vld [tilespmem:s25+$0x60]  }
0x27d: {  	v12 =	vadd.s32 $0x1, v5;
	v13 =	vadd.s32 $0x2, v5;
	v4 =	vmul.u32 $0x3, v4;
	v14 =	vld.idx.msk [tilespmem:v2+s8+$0x0], $0xffff  }
0x27e: {  	v15 =	vadd.s32 $0x1, v8;
	v16 =	vadd.s32 $0x2, v8;
	v6 =	vmul.u32 $0x3, v6;
	v17 =	vld.idx.msk [tilespmem:v1+s8+$0x0], $0xffff  }
0x27f: {  	v18 =	vadd.s32 $0x1, v4;
	v19 =	vadd.s32 $0x2, v4;
	v9 =	vmul.u32 $0x3, v9;
	v20 =	vld.idx.msk [tilespmem:v0+s8+$0x0], $0xffff  }
0x280: {  	v21 =	vadd.s32 $0x1, v6;
	v3 =	vadd.s32 $0x2, v6;
	v10 =	vmul.u32 $0x3, v10;
	v22 =	vld.idx.msk [tilespmem:v7+s8+$0x0], $0xffff  }
0x281: {  	v5 =	vld.idx.msk [tilespmem:v5+s8+$0x0], $0xffff;
	v23 =	vadd.s32 $0x1, v9;
	v2 =	vadd.s32 $0x2, v9;
	v11 =	vmul.u32 $0x3, v11  }
0x282: {  	v25 =	vadd.s32 $0x1, v7;
	v8 =	vld.idx.msk [tilespmem:v8+s8+$0x0], $0xffff;
	v24 =	vadd.s32 $0x1, v10;
	v1 =	vadd.s32 $0x2, v10  }
0x283: {  	v4 =	vld.idx.msk [tilespmem:v4+s8+$0x0], $0xffff;
	v26 =	vadd.s32 $0x1, v11;
	v0 =	vadd.s32 $0x2, v11;
	[tilespmem:s22+$0xC840] =	vst v14  }
0x284: {  	v6 =	vld.idx.msk [tilespmem:v6+s8+$0x0], $0xffff;
	[tilespmem:s22+$0xC850] =	vst v17  }
0x285: {  	v9 =	vld.idx.msk [tilespmem:v9+s8+$0x0], $0xffff;
	[tilespmem:s22+$0xC860] =	vst v20;
	s22 =	smov.u32 s25  }
0x286: {  	v10 =	vld.idx.msk [tilespmem:v10+s8+$0x0], $0xffff;
	[tilespmem:s22+$0x6470] =	vst v22  }
0x287: {  	[tilespmem:s22+$0x6400] =	vst v5;
	v5 =	vld.idx.msk [tilespmem:v25+s8+$0x0], $0xffff  }
0x288: {  	[tilespmem:s22+$0x6410] =	vst v8;
	v8 =	vld.idx.msk [tilespmem:v11+s8+$0x0], $0xffff  }
0x289: {  	v11 =	vld.idx.msk [tilespmem:v12+s8+$0x0], $0xffff;
	[tilespmem:s22+$0x6420] =	vst v4;
	v4 =	vadd.s32 $0x2, v7  }
0x28a: {  	v12 =	vld.idx.msk [tilespmem:v15+s8+$0x0], $0xffff;
	[tilespmem:s22+$0x6430] =	vst v6  }
0x28b: {  	v6 =	vld.idx.msk [tilespmem:v18+s8+$0x0], $0xffff;
	[tilespmem:s22+$0x6440] =	vst v9  }
0x28c: {  	v9 =	vld.idx.msk [tilespmem:v21+s8+$0x0], $0xffff;
	[tilespmem:s22+$0x6450] =	vst v10  }
0x28d: {  	v10 =	vld.idx.msk [tilespmem:v23+s8+$0x0], $0xffff;
	[tilespmem:s22+$0x9670] =	vst v5  }
0x28e: {  	[tilespmem:s22+$0x6460] =	vst v8;
	v7 =	vld.idx.msk [tilespmem:v4+s8+$0x0], $0xffff  }
.Ltmp6:
0x28f: {  	[tilespmem:s22+$0x9600] =	vst v11;
	v5 =	vld.idx.msk [tilespmem:v24+s8+$0x0], $0xffff;
	(pc) =	sbr.rel @p0 .LBB2_14-.Ltmp6, $4  }
0x290: {  	[tilespmem:s22+$0x9610] =	vst v12;
	v8 =	vld.idx.msk [tilespmem:v26+s8+$0x0], $0xffff  }
0x291: {  	v4 =	vld.idx.msk [tilespmem:v13+s8+$0x0], $0xffff;
	[tilespmem:s22+$0x9620] =	vst v6  }
0x292: {  	v6 =	vld.idx.msk [tilespmem:v16+s8+$0x0], $0xffff;
	[tilespmem:s22+$0x9630] =	vst v9  }
0x293: {  	s24 =	sadd.s32 $0x200, s24;
	v9 =	vld.idx.msk [tilespmem:v19+s8+$0x0], $0xffff;
	[tilespmem:s22+$0x9640] =	vst v10  }
0x294: {  	_ =	sdelay $0x2  }
0x295: {  	[tilespmem:s22+$0xC870] =	vst v7  }
0x296: {  	v3 =	vld.idx.msk [tilespmem:v3+s8+$0x0], $0xffff;
	[tilespmem:s22+$0x9650] =	vst v5  }
0x297: {  	v2 =	vld.idx.msk [tilespmem:v2+s8+$0x0], $0xffff;
	[tilespmem:s22+$0x9660] =	vst v8  }
0x298: {  	v1 =	vld.idx.msk [tilespmem:v1+s8+$0x0], $0xffff;
	[tilespmem:s22+$0xC800] =	vst v4  }
0x299: {  	v0 =	vld.idx.msk [tilespmem:v0+s8+$0x0], $0xffff;
	[tilespmem:s22+$0xC810] =	vst v6  }
0x29a: {  	[tilespmem:s22+$0xC820] =	vst v9  }
0x29b: {  	[tilespmem:s22+$0xC830] =	vst v3  }
0x29c: {  	[tilespmem:s22+$0xC840] =	vst v2  }
0x29d: {  	[tilespmem:s22+$0xC850] =	vst v1  }
0x29e: {  	[tilespmem:s22+$0xC860] =	vst v0  }
0x29f: {  	s25 =	simm.s32 $0x0;
	s23 =	rddreg [dreg:$0x15]  }
0x2a0: {  	[hbm4b:s23+s25] =	stream.linear.scatter [tilespmem:s12], [sflag:$0x3], $0x3200, $0x38;
	[tilespmem:$0x19080] =	vst v63  }
0x2a1: {  	_ = 	snop  }
0x2a2: {  	[hbm4b:s2+s25] =	stream.linear.scatter [tilespmem:s13], [sflag:$0x3], $0x3200, $0x38;
	[tilespmem:$0x19080] =	vst v63  }
0x2a3: {  	_ = 	snop  }
0x2a4: {  	[hbm4b:s4+s25] =	stream.linear.scatter [tilespmem:s14], [sflag:$0x3], $0x3200, $0x38;
	[tilespmem:$0x19080] =	vst v63  }
0x2a5: {  	_ =	swait.ge [sflag:s15], $0x3200  }
0x2a6: {  	[sflag:s15] =	ssyncset.done $0x0  }
0x2a7: {  	[sflag:s15] =	ssyncadd.s32 $0xFFFFCE00  }
0x2a8: {  	_ =	swait.ge [sflag:s20], $0x3200  }
0x2a9: {  	[sflag:s20] =	ssyncset.done $0x0  }
0x2aa: {  	[sflag:s20] =	ssyncadd.s32 $0xFFFFCE00  }
0x2ab: {  	_ =	swait.ge [sflag:s20], $0x3200  }
0x2ac: {  	[sflag:s20] =	ssyncset.done $0x0  }
0x2ad: {  	[sflag:s20] =	ssyncadd.s32 $0xFFFFCE00  }
0x2ae: {  	_ =	swait.ge [sflag:s20], $0x3200  }
0x2af: {  	[sflag:s20] =	ssyncset.done $0x0  }
0x2b0: {  	s22 =	simm.s32 $0x0;
	[sflag:s20] =	ssyncadd.s32 $0xFFFFCE00  }
0x2b1: {  	v0 =	vld [tilespmem:s22+$0x3270]  }
0x2b2: {  	v1 =	vld [tilespmem:s22+$0x3200]  }
0x2b3: {  	v2 =	vld [tilespmem:s22+$0x3210]  }
0x2b4: {  	v3 =	vld [tilespmem:s22+$0x3220]  }
0x2b5: {  	v4 =	vld [tilespmem:s22+$0x3230]  }
0x2b6: {  	v5 =	vld [tilespmem:s22+$0x3240];
	v0 =	vmul.u32 $0x3, v0  }
0x2b7: {  	v6 =	vld [tilespmem:s22+$0x3250];
	v1 =	vmul.u32 $0x3, v1  }
0x2b8: {  	v7 =	vld [tilespmem:s22+$0x3260];
	v2 =	vmul.u32 $0x3, v2  }
0x2b9: {  	v3 =	vmul.u32 $0x3, v3  }
0x2ba: {  	v9 =	vmul.u32 $0x3, v4  }
0x2bb: {  	v10 =	vmul.u32 $0x3, v5  }
0x2bc: {  	v11 =	vmul.u32 $0x3, v6;
	v4 =	vld.idx.msk [tilespmem:v0+s8+$0x0], $0xffff  }
0x2bd: {  	v12 =	vmul.u32 $0x3, v7;
	v5 =	vld.idx.msk [tilespmem:v1+s8+$0x0], $0xffff  }
0x2be: {  	v6 =	vld.idx.msk [tilespmem:v2+s8+$0x0], $0xffff  }
0x2bf: {  	v7 =	vadd.s32 $0x1, v0;
	v8 =	vld.idx.msk [tilespmem:v3+s8+$0x0], $0xffff  }
0x2c0: {  	v13 =	vadd.s32 $0x1, v1;
	v14 =	vld.idx.msk [tilespmem:v9+s8+$0x0], $0xffff  }
0x2c1: {  	v15 =	vadd.s32 $0x1, v2;
	v16 =	vld.idx.msk [tilespmem:v10+s8+$0x0], $0xffff  }
0x2c2: {  	v17 =	vadd.s32 $0x1, v3;
	v18 =	vld.idx.msk [tilespmem:v11+s8+$0x0], $0xffff;
	[tilespmem:s22+$0xFA70] =	vst v4  }
0x2c3: {  	v4 =	vadd.s32 $0x1, v9;
	[tilespmem:s22+$0xFA10] =	vst v6;
	v6 =	vld.idx.msk [tilespmem:v12+s8+$0x0], $0xffff  }
0x2c4: {  	[tilespmem:s22+$0xFA00] =	vst v5;
	v5 =	vld.idx.msk [tilespmem:v7+s8+$0x0], $0xffff;
	v7 =	vadd.s32 $0x1, v10  }
0x2c5: {  	[tilespmem:s22+$0xFA20] =	vst v8;
	v8 =	vadd.s32 $0x1, v11;
	v13 =	vld.idx.msk [tilespmem:v13+s8+$0x0], $0xffff  }
0x2c6: {  	v0 =	vadd.s32 $0x2, v0;
	[tilespmem:s22+$0xFA30] =	vst v14;
	v15 =	vld.idx.msk [tilespmem:v15+s8+$0x0], $0xffff  }
0x2c7: {  	v61 =	vadd.s32 $0x1, v12;
	[tilespmem:s22+$0xFA40] =	vst v16;
	v17 =	vld.idx.msk [tilespmem:v17+s8+$0x0], $0xffff  }
0x2c8: {  	v1 =	vadd.s32 $0x2, v1;
	[tilespmem:s22+$0xFA50] =	vst v18;
	v62 =	vld.idx.msk [tilespmem:v4+s8+$0x0], $0xffff  }
0x2c9: {  	v2 =	vadd.s32 $0x2, v2;
	[tilespmem:s22+$0xFA60] =	vst v6;
	v63 =	vld.idx.msk [tilespmem:v7+s8+$0x0], $0xffff  }
0x2ca: {  	v19 =	vadd.s32 $0x2, v3;
	[tilespmem:s22+$0x12C70] =	vst v5;
	v5 =	vld.idx.msk [tilespmem:v8+s8+$0x0], $0xffff  }
0x2cb: {  	v3 =	vadd.s32 $0x2, v9;
	[tilespmem:s22+$0x12C00] =	vst v13;
	v7 =	vld.idx.msk [tilespmem:v0+s8+$0x0], $0xffff  }
0x2cc: {  	[tilespmem:s22+$0x12C10] =	vst v15;
	v8 =	vld.idx.msk [tilespmem:v61+s8+$0x0], $0xffff  }
0x2cd: {  	[tilespmem:s22+$0x12C20] =	vst v17;
	v4 =	vld.idx.msk [tilespmem:v1+s8+$0x0], $0xffff  }
0x2ce: {  	v6 =	vld.idx.msk [tilespmem:v2+s8+$0x0], $0xffff;
	[tilespmem:s22+$0x12C30] =	vst v62  }
0x2cf: {  	s24 =	simm.s32 $0x200;
	s23 =	simm.s32 $0x0;
	v2 =	vadd.s32 $0x2, v10;
	v1 =	vadd.s32 $0x2, v11;
	v0 =	vadd.s32 $0x2, v12;
	v9 =	vld.idx.msk [tilespmem:v19+s8+$0x0], $0xffff;
	[tilespmem:s22+$0x12C40] =	vst v63  }
.LBB2_16:
0x2d0: {  	s25 =	sshra.s32 s24, $0x2;
	s23 =	sadd.s32 $0x8, s23;
	v3 =	vld.idx.msk [tilespmem:v3+s8+$0x0], $0xffff;
	[tilespmem:s22+$0x15E70] =	vst v7  }
0x2d1: {  	v7 =	vld [tilespmem:s25+$0x3270];
	p0 =	slt.u32 s23, $0x318;
	[tilespmem:s22+$0x12C50] =	vst v5  }
0x2d2: {  	v5 =	vld [tilespmem:s25+$0x3200];
	[tilespmem:s22+$0x12C60] =	vst v8  }
0x2d3: {  	v8 =	vld [tilespmem:s25+$0x3210];
	[tilespmem:s22+$0x15E00] =	vst v4  }
0x2d4: {  	v4 =	vld [tilespmem:s25+$0x3220];
	[tilespmem:s22+$0x15E10] =	vst v6  }
0x2d5: {  	v6 =	vld [tilespmem:s25+$0x3230];
	[tilespmem:s22+$0x15E20] =	vst v9  }
0x2d6: {  	v9 =	vld [tilespmem:s25+$0x3240];
	v7 =	vmul.u32 $0x3, v7;
	[tilespmem:s22+$0x15E30] =	vst v3  }
0x2d7: {  	v5 =	vmul.u32 $0x3, v5;
	v10 =	vld [tilespmem:s25+$0x3250]  }
0x2d8: {  	v8 =	vmul.u32 $0x3, v8;
	v11 =	vld [tilespmem:s25+$0x3260]  }
0x2d9: {  	v12 =	vadd.s32 $0x1, v5;
	v13 =	vadd.s32 $0x2, v5;
	v4 =	vmul.u32 $0x3, v4;
	v14 =	vld.idx.msk [tilespmem:v2+s8+$0x0], $0xffff  }
0x2da: {  	v15 =	vadd.s32 $0x1, v8;
	v16 =	vadd.s32 $0x2, v8;
	v6 =	vmul.u32 $0x3, v6;
	v17 =	vld.idx.msk [tilespmem:v1+s8+$0x0], $0xffff  }
0x2db: {  	v18 =	vadd.s32 $0x1, v4;
	v19 =	vadd.s32 $0x2, v4;
	v9 =	vmul.u32 $0x3, v9;
	v20 =	vld.idx.msk [tilespmem:v0+s8+$0x0], $0xffff  }
0x2dc: {  	v21 =	vadd.s32 $0x1, v6;
	v3 =	vadd.s32 $0x2, v6;
	v10 =	vmul.u32 $0x3, v10;
	v22 =	vld.idx.msk [tilespmem:v7+s8+$0x0], $0xffff  }
0x2dd: {  	v5 =	vld.idx.msk [tilespmem:v5+s8+$0x0], $0xffff;
	v23 =	vadd.s32 $0x1, v9;
	v2 =	vadd.s32 $0x2, v9;
	v11 =	vmul.u32 $0x3, v11  }
0x2de: {  	v25 =	vadd.s32 $0x1, v7;
	v8 =	vld.idx.msk [tilespmem:v8+s8+$0x0], $0xffff;
	v24 =	vadd.s32 $0x1, v10;
	v1 =	vadd.s32 $0x2, v10  }
0x2df: {  	v4 =	vld.idx.msk [tilespmem:v4+s8+$0x0], $0xffff;
	v26 =	vadd.s32 $0x1, v11;
	v0 =	vadd.s32 $0x2, v11;
	[tilespmem:s22+$0x15E40] =	vst v14  }
0x2e0: {  	v6 =	vld.idx.msk [tilespmem:v6+s8+$0x0], $0xffff;
	[tilespmem:s22+$0x15E50] =	vst v17  }
0x2e1: {  	v9 =	vld.idx.msk [tilespmem:v9+s8+$0x0], $0xffff;
	[tilespmem:s22+$0x15E60] =	vst v20;
	s22 =	smov.u32 s25  }
0x2e2: {  	v10 =	vld.idx.msk [tilespmem:v10+s8+$0x0], $0xffff;
	[tilespmem:s22+$0xFA70] =	vst v22  }
0x2e3: {  	[tilespmem:s22+$0xFA00] =	vst v5;
	v5 =	vld.idx.msk [tilespmem:v25+s8+$0x0], $0xffff  }
0x2e4: {  	[tilespmem:s22+$0xFA10] =	vst v8;
	v8 =	vld.idx.msk [tilespmem:v11+s8+$0x0], $0xffff  }
0x2e5: {  	v11 =	vld.idx.msk [tilespmem:v12+s8+$0x0], $0xffff;
	[tilespmem:s22+$0xFA20] =	vst v4;
	v4 =	vadd.s32 $0x2, v7  }
0x2e6: {  	v12 =	vld.idx.msk [tilespmem:v15+s8+$0x0], $0xffff;
	[tilespmem:s22+$0xFA30] =	vst v6  }
0x2e7: {  	v6 =	vld.idx.msk [tilespmem:v18+s8+$0x0], $0xffff;
	[tilespmem:s22+$0xFA40] =	vst v9  }
0x2e8: {  	v9 =	vld.idx.msk [tilespmem:v21+s8+$0x0], $0xffff;
	[tilespmem:s22+$0xFA50] =	vst v10  }
0x2e9: {  	v10 =	vld.idx.msk [tilespmem:v23+s8+$0x0], $0xffff;
	[tilespmem:s22+$0x12C70] =	vst v5  }
0x2ea: {  	[tilespmem:s22+$0xFA60] =	vst v8;
	v7 =	vld.idx.msk [tilespmem:v4+s8+$0x0], $0xffff  }
.Ltmp7:
0x2eb: {  	[tilespmem:s22+$0x12C00] =	vst v11;
	v5 =	vld.idx.msk [tilespmem:v24+s8+$0x0], $0xffff;
	(pc) =	sbr.rel @p0 .LBB2_16-.Ltmp7, $4  }
0x2ec: {  	[tilespmem:s22+$0x12C10] =	vst v12;
	v8 =	vld.idx.msk [tilespmem:v26+s8+$0x0], $0xffff  }
0x2ed: {  	v4 =	vld.idx.msk [tilespmem:v13+s8+$0x0], $0xffff;
	[tilespmem:s22+$0x12C20] =	vst v6  }
0x2ee: {  	v6 =	vld.idx.msk [tilespmem:v16+s8+$0x0], $0xffff;
	[tilespmem:s22+$0x12C30] =	vst v9  }
0x2ef: {  	s24 =	sadd.s32 $0x200, s24;
	v9 =	vld.idx.msk [tilespmem:v19+s8+$0x0], $0xffff;
	[tilespmem:s22+$0x12C40] =	vst v10  }
0x2f0: {  	_ =	sdelay $0x2  }
0x2f1: {  	[tilespmem:s22+$0x15E70] =	vst v7  }
0x2f2: {  	v3 =	vld.idx.msk [tilespmem:v3+s8+$0x0], $0xffff;
	[tilespmem:s22+$0x12C50] =	vst v5  }
0x2f3: {  	v2 =	vld.idx.msk [tilespmem:v2+s8+$0x0], $0xffff;
	[tilespmem:s22+$0x12C60] =	vst v8  }
0x2f4: {  	v1 =	vld.idx.msk [tilespmem:v1+s8+$0x0], $0xffff;
	[tilespmem:s22+$0x15E00] =	vst v4  }
0x2f5: {  	v0 =	vld.idx.msk [tilespmem:v0+s8+$0x0], $0xffff;
	[tilespmem:s22+$0x15E10] =	vst v6  }
0x2f6: {  	[tilespmem:s22+$0x15E20] =	vst v9  }
0x2f7: {  	[tilespmem:s22+$0x15E30] =	vst v3  }
0x2f8: {  	[tilespmem:s22+$0x15E40] =	vst v2  }
0x2f9: {  	[tilespmem:s22+$0x15E50] =	vst v1  }
0x2fa: {  	[tilespmem:s22+$0x15E60] =	vst v0  }
0x2fb: {  	s22 =	rddreg [dreg:$0x16]  }
0x2fc: {  	[hbm4b:s22+s3] =	stream.linear.scatter [tilespmem:s16], [sflag:$0x4], $0x3200, $0x38;
	[tilespmem:$0x19080] =	vst v63  }
0x2fd: {  	_ = 	snop  }
0x2fe: {  	[hbm4b:s6+s3] =	stream.linear.scatter [tilespmem:s17], [sflag:$0x4], $0x3200, $0x38;
	[tilespmem:$0x19080] =	vst v63  }
0x2ff: {  	_ = 	snop  }
0x300: {  	[hbm4b:s7+s3] =	stream.linear.scatter [tilespmem:s18], [sflag:$0x4], $0x3200, $0x38;
	[tilespmem:$0x19080] =	vst v63  }
0x301: {  	_ =	swait.ge [sflag:s19], $0x3200  }
0x302: {  	[sflag:s19] =	ssyncset.done $0x0  }
0x303: {  	[sflag:s19] =	ssyncadd.s32 $0xFFFFCE00  }
0x304: {  	_ =	swait.ge [sflag:s19], $0x3200  }
0x305: {  	[sflag:s19] =	ssyncset.done $0x0  }
0x306: {  	[sflag:s19] =	ssyncadd.s32 $0xFFFFCE00  }
0x307: {  	_ =	swait.ge [sflag:s19], $0x3200  }
0x308: {  	[sflag:s19] =	ssyncset.done $0x0  }
0x309: {  	[sflag:s19] =	ssyncadd.s32 $0xFFFFCE00  }
0x30a: {  	_ =	swait.ge [sflag:s20], $0x3200  }
0x30b: {  	[sflag:s20] =	ssyncset.done $0x0  }
0x30c: {  	[sflag:s20] =	ssyncadd.s32 $0xFFFFCE00  }
0x30d: {  	_ =	swait.ge [sflag:s20], $0x3200  }
0x30e: {  	[sflag:s20] =	ssyncset.done $0x0  }
0x30f: {  	[sflag:s20] =	ssyncadd.s32 $0xFFFFCE00  }
0x310: {  	_ =	swait.ge [sflag:s20], $0x3200  }
0x311: {  	s21 =	sadd.s32 $0x1, s21;
	s25 =	rddreg [dreg:$0x18]  }
0x312: {  	p0 =	sne.s32 s21, s25  }
.Ltmp8:
0x313: {  	_ = 	snop;
	(pc) =	sbr.rel @p0 .LBB2_1-.Ltmp8, $3  }
0x314: {  	_ =	sdelay $0x1  }
0x315: {  	[sflag:s20] =	ssyncset.done $0x0  }
0x316: {  	[sflag:s20] =	ssyncadd.s32 $0xFFFFCE00  }
0x317: {  	_ =	sfence.sel $0x180000  }
0x318: {  	[bflag:$0x0] =	sbarrier.arrive $0xFFFF  }
0x319: {  	_ =	strace $0x90000047  }
0x31a: {  	s0 =	stileid.u32;
	[bflag:$0x2] =	sbarrier.arrive $0xFFFF  }
0x31b: {  	p0 =	sne.s32 s0, $0x0;
	s0 =	rddreg [dreg:$0x3]  }
0x31c: {  	s0 =	sadd.s32 @!p0 $0x100000, s0  }
0x31d: {  	[sflag:s0] =	ssyncadd.tile.s32 @!p0 $0x1;
	_ =	shalt  }
.Lfunc_end2:
_tile_overlayer_lowered:
.L_overlay_start_2:
0x31e: {  	(tag) =	ssettag $0x2  }
0x31f: {  	s0 =	rddreg [dreg:$0x0];
	s2 =	stileid.u32  }
0x320: {  	s1 =	rddreg [dreg:$0x1];
	p0 =	sne.s32 s2, $0x0  }
0x321: {  	s3 =	rddreg [dreg:$0x2];
	[bflag:$0x3] =	sbarrier.arrive $0xFFFF;
	s2 =	simm.s32 @!p0 $0x1C05  }
0x322: {  	[timem:s3], [sflag:s2] =	dma.local @!p0 [hbm:s0], s1  }
0x323: {  	s0 =	simm.s32 @!p0 $0x5  }
0x324: {  	_ =	swait.ge @!p0 [sflag:s0], s1  }
0x325: {  	s1 =	ssub.s32 @!p0 $0x0, s1;
	[sflag:s0] =	ssyncset.done @!p0 $0x0  }
0x326: {  	[sflag:s0] =	ssyncadd.s32 @!p0 s1  }
0x327: {  	[bflag:$0x3] =	sbarrier.arrive $0xFFFF  }
0x328: {  	_ =	shalt  }

</sc_bundles>
